<compile_context>
chip_gen: v7x
topology: tpu7x:2x2x1
jax: 0.10.2.dev20260603
libtpu: 0.0.44.dev20260713+nightly
codegen_flags: <defaults>
</compile_context>

<pallas_src>
import jax
import jax.numpy as jnp
from jax import lax
from jax.experimental import pallas as pl
from jax.experimental.pallas import tpu as pltpu
from jax.experimental.pallas import tpu_sc as plsc

C = 160
NPTS = 500
NP_NEIGH = 8
L = 16
NPAD = 512
NC = 2
NS = 16
NW = NC * NS
CPW = C // NW
NBLK = NPAD // L


def _sc_body(f1_hbm, f2_hbm, inds_hbm, out_hbm,
             f1_v, f2_v, inds_v, out_v, sem1, sem2, sem3):
    wid = lax.axis_index("s") * NC + lax.axis_index("c")
    e0 = wid * (CPW * NPAD)
    cp2 = pltpu.async_copy(inds_hbm, inds_v, sem2)
    cp1 = pltpu.async_copy(f2_hbm.at[pl.ds(e0, CPW * NPAD)], f2_v, sem1)
    cp3 = pltpu.async_copy(f1_hbm.at[pl.ds(e0, CPW * NPAD)], f1_v, sem3)
    cp1.wait()
    cp2.wait()

    cp3.wait()

    @plsc.parallel_loop(0, NBLK, unroll=1)
    def block(blk):
        base = blk * L
        idxs = [inds_v[pl.ds(n * NPAD + base, L)] for n in range(NP_NEIGH)]
        for c in range(CPW):
            roff = c * NPAD
            g = [plsc.load_gather(f2_v, [idxs[n] + roff])
                 for n in range(NP_NEIGH)]
            s0 = (g[0] + g[1]) + (g[2] + g[3])
            s1 = (g[4] + g[5]) + (g[6] + g[7])
            ds = pl.ds(roff + base, L)
            out_v[ds] = (s0 + s1) * f1_v[ds] * 0.125
    pltpu.sync_copy(out_v, out_hbm.at[pl.ds(e0, CPW * NPAD)])


@jax.jit
def kernel(feat1, feat2, inds):
    f1 = jnp.pad(feat1[0], ((0, 0), (0, NPAD - NPTS))).reshape(-1)
    f2 = jnp.pad(feat2[0], ((0, 0), (0, NPAD - NPTS))).reshape(-1)
    it = jnp.pad(inds[0].astype(jnp.int32).T,
                 ((0, 0), (0, NPAD - NPTS))).reshape(-1)

    mesh = plsc.VectorSubcoreMesh(core_axis_name="c", subcore_axis_name="s")
    out = pl.kernel(
        _sc_body,
        out_type=jax.ShapeDtypeStruct((C * NPAD,), jnp.float32),
        mesh=mesh,
        compiler_params=pltpu.CompilerParams(needs_layout_passes=False),
        scratch_types=[
            pltpu.VMEM((CPW * NPAD,), jnp.float32),
            pltpu.VMEM((CPW * NPAD,), jnp.float32),
            pltpu.VMEM((NP_NEIGH * NPAD,), jnp.int32),
            pltpu.VMEM((CPW * NPAD,), jnp.float32),
            pltpu.SemaphoreType.DMA,
            pltpu.SemaphoreType.DMA,
            pltpu.SemaphoreType.DMA,
        ],
    )(f1, f2, it)
    return out.reshape(1, C, NPAD)[:, :, :NPTS]

# --- scband reference (transcript-rebuilt; emitter-appended) ---
"""Pipeline reference for scband-points-times-25383256719963 (READ-ONLY COPY).

The authoritative reference and input builder live on the scoring server;
editing this copy changes nothing except your own understanding.
"""

import jax, jax.numpy as jnp
import numpy as np

NP_NEIGH = 8
C = 160
NPTS = 500

def setup_inputs(seed: int = 0) -> dict:
    key = jax.random.key(seed)
    k1, k2, k3 = jax.random.split(key, 3)
    feat1 = jax.random.normal(k1, (1, C, NPTS), dtype=jnp.float32)
    feat2 = jax.random.normal(k2, (1, C, NPTS), dtype=jnp.float32)
    inds = jax.random.randint(k3, (1, NPTS, NP_NEIGH), 0, NPTS, dtype=jnp.int64)
    return {"feat1": feat1, "feat2": feat2, "inds": inds}

def reference(feat1, feat2, inds):
    # torch.gather(feat2, 2, inds.view(1,1,-1).repeat(1,160,1))
    idx = jnp.broadcast_to(inds.reshape(1, 1, -1), (1, C, NPTS * NP_NEIGH))
    selected_feat = jnp.take_along_axis(feat2, idx, axis=2)
    # feat1.view(1,160,500,1).repeat(1,1,1,np).view(1,160,-1)
    current_feat = jnp.repeat(feat1.reshape(1, C, NPTS, 1), NP_NEIGH, axis=3)
    current_feat = current_feat.reshape(1, C, -1)
    diff = current_feat * selected_feat
    diff = diff.reshape(1, C, NPTS, NP_NEIGH)
    diff = jnp.sum(diff, axis=3) / NP_NEIGH
    return diff

if __name__ == "__main__":
    import jax
    _d = setup_inputs()
    print(jax.jit(kernel)(*tuple(_d.values())))

</pallas_src>

<mosaic_0001>
#map = affine_map<(d0, d1) -> (0)>
module attributes {stable_mosaic.version = 14 : i64} {
  func.func @_sc_body(%arg0: i32, %arg1: i32, %arg2: memref<81920xf32, #tpu.memory_space<hbm>>, %arg3: memref<81920xf32, #tpu.memory_space<hbm>>, %arg4: memref<4096xi32, #tpu.memory_space<hbm>>, %arg5: memref<81920xf32, #tpu.memory_space<hbm>>, %arg6: memref<2560xf32, #tpu.memory_space<vmem>>, %arg7: memref<2560xf32, #tpu.memory_space<vmem>>, %arg8: memref<4096xi32, #tpu.memory_space<vmem>>, %arg9: memref<2560xf32, #tpu.memory_space<vmem>>, %arg10: memref<!tpu.dma_semaphore, #tpu.memory_space<semaphore_mem>>, %arg11: memref<!tpu.dma_semaphore, #tpu.memory_space<semaphore_mem>>, %arg12: memref<!tpu.dma_semaphore, #tpu.memory_space<semaphore_mem>>) attributes {dimension_semantics = [#tpu.dimension_semantics<core_parallel>, #tpu.dimension_semantics<subcore_parallel>], iteration_bounds = array<i64: 2, 16>, scalar_prefetch = 0 : i64, scratch_operands = 7 : i64, tpu.core_type = #tpu.core_type<sc_vector_subcore>, window_params = [{transform_indices = #map}, {transform_indices = #map}, {transform_indices = #map}, {transform_indices = #map}]} {
    %mul3A = arith.constant 2 : i32
    %mul3A_0 = arith.muli %arg1, %mul3A : i32
    %add3A = arith.addi %mul3A_0, %arg0 : i32
    %mul3A_1 = arith.constant 2560 : i32
    %mul3A_2 = arith.muli %add3A, %mul3A_1 : i32
    tpu.enqueue_dma source(%arg4 : memref<4096xi32, #tpu.memory_space<hbm>>) target(%arg8 : memref<4096xi32, #tpu.memory_space<vmem>>) target_semaphore(%arg11 : memref<!tpu.dma_semaphore, #tpu.memory_space<semaphore_mem>>)
    %dma_start3A = tpu.memref_slice %arg3[%mul3A_2] : memref<81920xf32, #tpu.memory_space<hbm>> -> memref<2560xf32, #tpu.memory_space<hbm>>
    %dma_start3A_3 = tpu.memref_slice %arg3[%mul3A_2] : memref<81920xf32, #tpu.memory_space<hbm>> -> memref<2560xf32, #tpu.memory_space<hbm>>
    tpu.enqueue_dma source(%dma_start3A_3 : memref<2560xf32, #tpu.memory_space<hbm>>) target(%arg7 : memref<2560xf32, #tpu.memory_space<vmem>>) target_semaphore(%arg10 : memref<!tpu.dma_semaphore, #tpu.memory_space<semaphore_mem>>)
    %dma_start3A_4 = tpu.memref_slice %arg2[%mul3A_2] : memref<81920xf32, #tpu.memory_space<hbm>> -> memref<2560xf32, #tpu.memory_space<hbm>>
    %dma_start3A_5 = tpu.memref_slice %arg2[%mul3A_2] : memref<81920xf32, #tpu.memory_space<hbm>> -> memref<2560xf32, #tpu.memory_space<hbm>>
    tpu.enqueue_dma source(%dma_start3A_5 : memref<2560xf32, #tpu.memory_space<hbm>>) target(%arg6 : memref<2560xf32, #tpu.memory_space<vmem>>) target_semaphore(%arg12 : memref<!tpu.dma_semaphore, #tpu.memory_space<semaphore_mem>>)
    %dma_wait3A = tpu.memref_slice %arg3[%mul3A_2] : memref<81920xf32, #tpu.memory_space<hbm>> -> memref<2560xf32, #tpu.memory_space<hbm>>
    %dma_wait3A_6 = tpu.memref_slice %arg3[%mul3A_2] : memref<81920xf32, #tpu.memory_space<hbm>> -> memref<2560xf32, #tpu.memory_space<hbm>>
    tpu.wait_dma2 semaphore(%arg10 : memref<!tpu.dma_semaphore, #tpu.memory_space<semaphore_mem>>) src(%dma_wait3A_6 : memref<2560xf32, #tpu.memory_space<hbm>>) dst(%arg7 : memref<2560xf32, #tpu.memory_space<vmem>>)
    tpu.wait_dma2 semaphore(%arg11 : memref<!tpu.dma_semaphore, #tpu.memory_space<semaphore_mem>>) src(%arg4 : memref<4096xi32, #tpu.memory_space<hbm>>) dst(%arg8 : memref<4096xi32, #tpu.memory_space<vmem>>)
    %dma_wait3A_7 = tpu.memref_slice %arg2[%mul3A_2] : memref<81920xf32, #tpu.memory_space<hbm>> -> memref<2560xf32, #tpu.memory_space<hbm>>
    %dma_wait3A_8 = tpu.memref_slice %arg2[%mul3A_2] : memref<81920xf32, #tpu.memory_space<hbm>> -> memref<2560xf32, #tpu.memory_space<hbm>>
    tpu.wait_dma2 semaphore(%arg12 : memref<!tpu.dma_semaphore, #tpu.memory_space<semaphore_mem>>) src(%dma_wait3A_8 : memref<2560xf32, #tpu.memory_space<hbm>>) dst(%arg6 : memref<2560xf32, #tpu.memory_space<vmem>>)
    %parallel_loop3A = arith.constant 0 : i32
    %parallel_loop3A_9 = arith.constant 32 : i32
    %parallel_loop3A_10 = arith.constant 1 : i32
    scf.for %parallel_loop3A_11 = %parallel_loop3A to %parallel_loop3A_9 step %parallel_loop3A_10  : i32 {
      %parallel_loop3A_12 = arith.constant 16 : i32
      %parallel_loop3A_13 = arith.muli %parallel_loop3A_11, %parallel_loop3A_12 : i32
      %parallel_loop3A_14 = arith.constant 0 : i32
      %parallel_loop3A_15 = arith.addi %parallel_loop3A_14, %parallel_loop3A_13 : i32
      %parallel_loop3A_16 = arith.index_cast %parallel_loop3A_15 : i32 to index
      %parallel_loop3A_17 = tpu.vector_load %arg8[%parallel_loop3A_16] {strides = array<i32>} : memref<4096xi32, #tpu.memory_space<vmem>>, vector<16xi32>,
      %parallel_loop3A_18 = arith.constant 512 : i32
      %parallel_loop3A_19 = arith.addi %parallel_loop3A_18, %parallel_loop3A_13 : i32
      %parallel_loop3A_20 = arith.index_cast %parallel_loop3A_19 : i32 to index
      %parallel_loop3A_21 = tpu.vector_load %arg8[%parallel_loop3A_20] {strides = array<i32>} : memref<4096xi32, #tpu.memory_space<vmem>>, vector<16xi32>,
      %parallel_loop3A_22 = arith.constant 1024 : i32
      %parallel_loop3A_23 = arith.addi %parallel_loop3A_22, %parallel_loop3A_13 : i32
      %parallel_loop3A_24 = arith.index_cast %parallel_loop3A_23 : i32 to index
      %parallel_loop3A_25 = tpu.vector_load %arg8[%parallel_loop3A_24] {strides = array<i32>} : memref<4096xi32, #tpu.memory_space<vmem>>, vector<16xi32>,
      %parallel_loop3A_26 = arith.constant 1536 : i32
      %parallel_loop3A_27 = arith.addi %parallel_loop3A_26, %parallel_loop3A_13 : i32
      %parallel_loop3A_28 = arith.index_cast %parallel_loop3A_27 : i32 to index
      %parallel_loop3A_29 = tpu.vector_load %arg8[%parallel_loop3A_28] {strides = array<i32>} : memref<4096xi32, #tpu.memory_space<vmem>>, vector<16xi32>,
      %parallel_loop3A_30 = arith.constant 2048 : i32
      %parallel_loop3A_31 = arith.addi %parallel_loop3A_30, %parallel_loop3A_13 : i32
      %parallel_loop3A_32 = arith.index_cast %parallel_loop3A_31 : i32 to index
      %parallel_loop3A_33 = tpu.vector_load %arg8[%parallel_loop3A_32] {strides = array<i32>} : memref<4096xi32, #tpu.memory_space<vmem>>, vector<16xi32>,
      %parallel_loop3A_34 = arith.constant 2560 : i32
      %parallel_loop3A_35 = arith.addi %parallel_loop3A_34, %parallel_loop3A_13 : i32
      %parallel_loop3A_36 = arith.index_cast %parallel_loop3A_35 : i32 to index
      %parallel_loop3A_37 = tpu.vector_load %arg8[%parallel_loop3A_36] {strides = array<i32>} : memref<4096xi32, #tpu.memory_space<vmem>>, vector<16xi32>,
      %parallel_loop3A_38 = arith.constant 3072 : i32
      %parallel_loop3A_39 = arith.addi %parallel_loop3A_38, %parallel_loop3A_13 : i32
      %parallel_loop3A_40 = arith.index_cast %parallel_loop3A_39 : i32 to index
      %parallel_loop3A_41 = tpu.vector_load %arg8[%parallel_loop3A_40] {strides = array<i32>} : memref<4096xi32, #tpu.memory_space<vmem>>, vector<16xi32>,
      %parallel_loop3A_42 = arith.constant 3584 : i32
      %parallel_loop3A_43 = arith.addi %parallel_loop3A_42, %parallel_loop3A_13 : i32
      %parallel_loop3A_44 = arith.index_cast %parallel_loop3A_43 : i32 to index
      %parallel_loop3A_45 = tpu.vector_load %arg8[%parallel_loop3A_44] {strides = array<i32>} : memref<4096xi32, #tpu.memory_space<vmem>>, vector<16xi32>,
      %parallel_loop3A_46 = arith.constant 0 : i32
      %parallel_loop3A_47 = vector.broadcast %parallel_loop3A_46 : i32 to vector<16xi32>
      %parallel_loop3A_48 = arith.addi %parallel_loop3A_17, %parallel_loop3A_47 : vector<16xi32>
      %parallel_loop3A_49 = tpu.vector_load_idx %arg7[%parallel_loop3A_48] : memref<2560xf32, #tpu.memory_space<vmem>>[vector<16xi32>], vector<16xf32>,
      %parallel_loop3A_50 = arith.constant 0 : i32
      %parallel_loop3A_51 = vector.broadcast %parallel_loop3A_50 : i32 to vector<16xi32>
      %parallel_loop3A_52 = arith.addi %parallel_loop3A_21, %parallel_loop3A_51 : vector<16xi32>
      %parallel_loop3A_53 = tpu.vector_load_idx %arg7[%parallel_loop3A_52] : memref<2560xf32, #tpu.memory_space<vmem>>[vector<16xi32>], vector<16xf32>,
      %parallel_loop3A_54 = arith.constant 0 : i32
      %parallel_loop3A_55 = vector.broadcast %parallel_loop3A_54 : i32 to vector<16xi32>
      %parallel_loop3A_56 = arith.addi %parallel_loop3A_25, %parallel_loop3A_55 : vector<16xi32>
      %parallel_loop3A_57 = tpu.vector_load_idx %arg7[%parallel_loop3A_56] : memref<2560xf32, #tpu.memory_space<vmem>>[vector<16xi32>], vector<16xf32>,
      %parallel_loop3A_58 = arith.constant 0 : i32
      %parallel_loop3A_59 = vector.broadcast %parallel_loop3A_58 : i32 to vector<16xi32>
      %parallel_loop3A_60 = arith.addi %parallel_loop3A_29, %parallel_loop3A_59 : vector<16xi32>
      %parallel_loop3A_61 = tpu.vector_load_idx %arg7[%parallel_loop3A_60] : memref<2560xf32, #tpu.memory_space<vmem>>[vector<16xi32>], vector<16xf32>,
      %parallel_loop3A_62 = arith.constant 0 : i32
      %parallel_loop3A_63 = vector.broadcast %parallel_loop3A_62 : i32 to vector<16xi32>
      %parallel_loop3A_64 = arith.addi %parallel_loop3A_33, %parallel_loop3A_63 : vector<16xi32>
      %parallel_loop3A_65 = tpu.vector_load_idx %arg7[%parallel_loop3A_64] : memref<2560xf32, #tpu.memory_space<vmem>>[vector<16xi32>], vector<16xf32>,
      %parallel_loop3A_66 = arith.constant 0 : i32
      %parallel_loop3A_67 = vector.broadcast %parallel_loop3A_66 : i32 to vector<16xi32>
      %parallel_loop3A_68 = arith.addi %parallel_loop3A_37, %parallel_loop3A_67 : vector<16xi32>
      %parallel_loop3A_69 = tpu.vector_load_idx %arg7[%parallel_loop3A_68] : memref<2560xf32, #tpu.memory_space<vmem>>[vector<16xi32>], vector<16xf32>,
      %parallel_loop3A_70 = arith.constant 0 : i32
      %parallel_loop3A_71 = vector.broadcast %parallel_loop3A_70 : i32 to vector<16xi32>
      %parallel_loop3A_72 = arith.addi %parallel_loop3A_41, %parallel_loop3A_71 : vector<16xi32>
      %parallel_loop3A_73 = tpu.vector_load_idx %arg7[%parallel_loop3A_72] : memref<2560xf32, #tpu.memory_space<vmem>>[vector<16xi32>], vector<16xf32>,
      %parallel_loop3A_74 = arith.constant 0 : i32
      %parallel_loop3A_75 = vector.broadcast %parallel_loop3A_74 : i32 to vector<16xi32>
      %parallel_loop3A_76 = arith.addi %parallel_loop3A_45, %parallel_loop3A_75 : vector<16xi32>
      %parallel_loop3A_77 = tpu.vector_load_idx %arg7[%parallel_loop3A_76] : memref<2560xf32, #tpu.memory_space<vmem>>[vector<16xi32>], vector<16xf32>,
      %parallel_loop3A_78 = arith.addf %parallel_loop3A_49, %parallel_loop3A_53 : vector<16xf32>
      %parallel_loop3A_79 = arith.addf %parallel_loop3A_57, %parallel_loop3A_61 : vector<16xf32>
      %parallel_loop3A_80 = arith.addf %parallel_loop3A_78, %parallel_loop3A_79 : vector<16xf32>
      %parallel_loop3A_81 = arith.addf %parallel_loop3A_65, %parallel_loop3A_69 : vector<16xf32>
      %parallel_loop3A_82 = arith.addf %parallel_loop3A_73, %parallel_loop3A_77 : vector<16xf32>
      %parallel_loop3A_83 = arith.addf %parallel_loop3A_81, %parallel_loop3A_82 : vector<16xf32>
      %parallel_loop3A_84 = arith.constant 0 : i32
      %parallel_loop3A_85 = arith.addi %parallel_loop3A_84, %parallel_loop3A_13 : i32
      %parallel_loop3A_86 = arith.addf %parallel_loop3A_80, %parallel_loop3A_83 : vector<16xf32>
      %parallel_loop3A_87 = arith.index_cast %parallel_loop3A_85 : i32 to index
      %parallel_loop3A_88 = tpu.vector_load %arg6[%parallel_loop3A_87] {strides = array<i32>} : memref<2560xf32, #tpu.memory_space<vmem>>, vector<16xf32>,
      %parallel_loop3A_89 = arith.mulf %parallel_loop3A_86, %parallel_loop3A_88 : vector<16xf32>
      %parallel_loop3A_90 = arith.constant 1.250000e-01 : f32
      %parallel_loop3A_91 = vector.broadcast %parallel_loop3A_90 : f32 to vector<16xf32>
      %parallel_loop3A_92 = arith.mulf %parallel_loop3A_89, %parallel_loop3A_91 : vector<16xf32>
      %parallel_loop3A_93 = arith.index_cast %parallel_loop3A_85 : i32 to index
      %parallel_loop3A_94 = tpu.vector_load %arg9[%parallel_loop3A_93] {strides = array<i32>} : memref<2560xf32, #tpu.memory_space<vmem>>, vector<16xf32>,
      tpu.vector_store %arg9[%parallel_loop3A_93], %parallel_loop3A_92 {strides = array<i32>} : memref<2560xf32, #tpu.memory_space<vmem>>, vector<16xf32>,
      %parallel_loop3A_95 = arith.constant 512 : i32
      %parallel_loop3A_96 = vector.broadcast %parallel_loop3A_95 : i32 to vector<16xi32>
      %parallel_loop3A_97 = arith.addi %parallel_loop3A_17, %parallel_loop3A_96 : vector<16xi32>
      %parallel_loop3A_98 = tpu.vector_load_idx %arg7[%parallel_loop3A_97] : memref<2560xf32, #tpu.memory_space<vmem>>[vector<16xi32>], vector<16xf32>,
      %parallel_loop3A_99 = arith.constant 512 : i32
      %parallel_loop3A_100 = vector.broadcast %parallel_loop3A_99 : i32 to vector<16xi32>
      %parallel_loop3A_101 = arith.addi %parallel_loop3A_21, %parallel_loop3A_100 : vector<16xi32>
      %parallel_loop3A_102 = tpu.vector_load_idx %arg7[%parallel_loop3A_101] : memref<2560xf32, #tpu.memory_space<vmem>>[vector<16xi32>], vector<16xf32>,
      %parallel_loop3A_103 = arith.constant 512 : i32
      %parallel_loop3A_104 = vector.broadcast %parallel_loop3A_103 : i32 to vector<16xi32>
      %parallel_loop3A_105 = arith.addi %parallel_loop3A_25, %parallel_loop3A_104 : vector<16xi32>
      %parallel_loop3A_106 = tpu.vector_load_idx %arg7[%parallel_loop3A_105] : memref<2560xf32, #tpu.memory_space<vmem>>[vector<16xi32>], vector<16xf32>,
      %parallel_loop3A_107 = arith.constant 512 : i32
      %parallel_loop3A_108 = vector.broadcast %parallel_loop3A_107 : i32 to vector<16xi32>
      %parallel_loop3A_109 = arith.addi %parallel_loop3A_29, %parallel_loop3A_108 : vector<16xi32>
      %parallel_loop3A_110 = tpu.vector_load_idx %arg7[%parallel_loop3A_109] : memref<2560xf32, #tpu.memory_space<vmem>>[vector<16xi32>], vector<16xf32>,
      %parallel_loop3A_111 = arith.constant 512 : i32
      %parallel_loop3A_112 = vector.broadcast %parallel_loop3A_111 : i32 to vector<16xi32>
      %parallel_loop3A_113 = arith.addi %parallel_loop3A_33, %parallel_loop3A_112 : vector<16xi32>
      %parallel_loop3A_114 = tpu.vector_load_idx %arg7[%parallel_loop3A_113] : memref<2560xf32, #tpu.memory_space<vmem>>[vector<16xi32>], vector<16xf32>,
      %parallel_loop3A_115 = arith.constant 512 : i32
      %parallel_loop3A_116 = vector.broadcast %parallel_loop3A_115 : i32 to vector<16xi32>
      %parallel_loop3A_117 = arith.addi %parallel_loop3A_37, %parallel_loop3A_116 : vector<16xi32>
      %parallel_loop3A_118 = tpu.vector_load_idx %arg7[%parallel_loop3A_117] : memref<2560xf32, #tpu.memory_space<vmem>>[vector<16xi32>], vector<16xf32>,
      %parallel_loop3A_119 = arith.constant 512 : i32
      %parallel_loop3A_120 = vector.broadcast %parallel_loop3A_119 : i32 to vector<16xi32>
      %parallel_loop3A_121 = arith.addi %parallel_loop3A_41, %parallel_loop3A_120 : vector<16xi32>
      %parallel_loop3A_122 = tpu.vector_load_idx %arg7[%parallel_loop3A_121] : memref<2560xf32, #tpu.memory_space<vmem>>[vector<16xi32>], vector<16xf32>,
      %parallel_loop3A_123 = arith.constant 512 : i32
      %parallel_loop3A_124 = vector.broadcast %parallel_loop3A_123 : i32 to vector<16xi32>
      %parallel_loop3A_125 = arith.addi %parallel_loop3A_45, %parallel_loop3A_124 : vector<16xi32>
      %parallel_loop3A_126 = tpu.vector_load_idx %arg7[%parallel_loop3A_125] : memref<2560xf32, #tpu.memory_space<vmem>>[vector<16xi32>], vector<16xf32>,
      %parallel_loop3A_127 = arith.addf %parallel_loop3A_98, %parallel_loop3A_102 : vector<16xf32>
      %parallel_loop3A_128 = arith.addf %parallel_loop3A_106, %parallel_loop3A_110 : vector<16xf32>
      %parallel_loop3A_129 = arith.addf %parallel_loop3A_127, %parallel_loop3A_128 : vector<16xf32>
      %parallel_loop3A_130 = arith.addf %parallel_loop3A_114, %parallel_loop3A_118 : vector<16xf32>
      %parallel_loop3A_131 = arith.addf %parallel_loop3A_122, %parallel_loop3A_126 : vector<16xf32>
      %parallel_loop3A_132 = arith.addf %parallel_loop3A_130, %parallel_loop3A_131 : vector<16xf32>
      %parallel_loop3A_133 = arith.constant 512 : i32
      %parallel_loop3A_134 = arith.addi %parallel_loop3A_133, %parallel_loop3A_13 : i32
      %parallel_loop3A_135 = arith.addf %parallel_loop3A_129, %parallel_loop3A_132 : vector<16xf32>
      %parallel_loop3A_136 = arith.index_cast %parallel_loop3A_134 : i32 to index
      %parallel_loop3A_137 = tpu.vector_load %arg6[%parallel_loop3A_136] {strides = array<i32>} : memref<2560xf32, #tpu.memory_space<vmem>>, vector<16xf32>,
      %parallel_loop3A_138 = arith.mulf %parallel_loop3A_135, %parallel_loop3A_137 : vector<16xf32>
      %parallel_loop3A_139 = arith.constant 1.250000e-01 : f32
      %parallel_loop3A_140 = vector.broadcast %parallel_loop3A_139 : f32 to vector<16xf32>
      %parallel_loop3A_141 = arith.mulf %parallel_loop3A_138, %parallel_loop3A_140 : vector<16xf32>
      %parallel_loop3A_142 = arith.index_cast %parallel_loop3A_134 : i32 to index
      %parallel_loop3A_143 = tpu.vector_load %arg9[%parallel_loop3A_142] {strides = array<i32>} : memref<2560xf32, #tpu.memory_space<vmem>>, vector<16xf32>,
      tpu.vector_store %arg9[%parallel_loop3A_142], %parallel_loop3A_141 {strides = array<i32>} : memref<2560xf32, #tpu.memory_space<vmem>>, vector<16xf32>,
      %parallel_loop3A_144 = arith.constant 1024 : i32
      %parallel_loop3A_145 = vector.broadcast %parallel_loop3A_144 : i32 to vector<16xi32>
      %parallel_loop3A_146 = arith.addi %parallel_loop3A_17, %parallel_loop3A_145 : vector<16xi32>
      %parallel_loop3A_147 = tpu.vector_load_idx %arg7[%parallel_loop3A_146] : memref<2560xf32, #tpu.memory_space<vmem>>[vector<16xi32>], vector<16xf32>,
      %parallel_loop3A_148 = arith.constant 1024 : i32
      %parallel_loop3A_149 = vector.broadcast %parallel_loop3A_148 : i32 to vector<16xi32>
      %parallel_loop3A_150 = arith.addi %parallel_loop3A_21, %parallel_loop3A_149 : vector<16xi32>
      %parallel_loop3A_151 = tpu.vector_load_idx %arg7[%parallel_loop3A_150] : memref<2560xf32, #tpu.memory_space<vmem>>[vector<16xi32>], vector<16xf32>,
      %parallel_loop3A_152 = arith.constant 1024 : i32
      %parallel_loop3A_153 = vector.broadcast %parallel_loop3A_152 : i32 to vector<16xi32>
      %parallel_loop3A_154 = arith.addi %parallel_loop3A_25, %parallel_loop3A_153 : vector<16xi32>
      %parallel_loop3A_155 = tpu.vector_load_idx %arg7[%parallel_loop3A_154] : memref<2560xf32, #tpu.memory_space<vmem>>[vector<16xi32>], vector<16xf32>,
      %parallel_loop3A_156 = arith.constant 1024 : i32
      %parallel_loop3A_157 = vector.broadcast %parallel_loop3A_156 : i32 to vector<16xi32>
      %parallel_loop3A_158 = arith.addi %parallel_loop3A_29, %parallel_loop3A_157 : vector<16xi32>
      %parallel_loop3A_159 = tpu.vector_load_idx %arg7[%parallel_loop3A_158] : memref<2560xf32, #tpu.memory_space<vmem>>[vector<16xi32>], vector<16xf32>,
      %parallel_loop3A_160 = arith.constant 1024 : i32
      %parallel_loop3A_161 = vector.broadcast %parallel_loop3A_160 : i32 to vector<16xi32>
      %parallel_loop3A_162 = arith.addi %parallel_loop3A_33, %parallel_loop3A_161 : vector<16xi32>
      %parallel_loop3A_163 = tpu.vector_load_idx %arg7[%parallel_loop3A_162] : memref<2560xf32, #tpu.memory_space<vmem>>[vector<16xi32>], vector<16xf32>,
      %parallel_loop3A_164 = arith.constant 1024 : i32
      %parallel_loop3A_165 = vector.broadcast %parallel_loop3A_164 : i32 to vector<16xi32>
      %parallel_loop3A_166 = arith.addi %parallel_loop3A_37, %parallel_loop3A_165 : vector<16xi32>
      %parallel_loop3A_167 = tpu.vector_load_idx %arg7[%parallel_loop3A_166] : memref<2560xf32, #tpu.memory_space<vmem>>[vector<16xi32>], vector<16xf32>,
      %parallel_loop3A_168 = arith.constant 1024 : i32
      %parallel_loop3A_169 = vector.broadcast %parallel_loop3A_168 : i32 to vector<16xi32>
      %parallel_loop3A_170 = arith.addi %parallel_loop3A_41, %parallel_loop3A_169 : vector<16xi32>
      %parallel_loop3A_171 = tpu.vector_load_idx %arg7[%parallel_loop3A_170] : memref<2560xf32, #tpu.memory_space<vmem>>[vector<16xi32>], vector<16xf32>,
      %parallel_loop3A_172 = arith.constant 1024 : i32
      %parallel_loop3A_173 = vector.broadcast %parallel_loop3A_172 : i32 to vector<16xi32>
      %parallel_loop3A_174 = arith.addi %parallel_loop3A_45, %parallel_loop3A_173 : vector<16xi32>
      %parallel_loop3A_175 = tpu.vector_load_idx %arg7[%parallel_loop3A_174] : memref<2560xf32, #tpu.memory_space<vmem>>[vector<16xi32>], vector<16xf32>,
      %parallel_loop3A_176 = arith.addf %parallel_loop3A_147, %parallel_loop3A_151 : vector<16xf32>
      %parallel_loop3A_177 = arith.addf %parallel_loop3A_155, %parallel_loop3A_159 : vector<16xf32>
      %parallel_loop3A_178 = arith.addf %parallel_loop3A_176, %parallel_loop3A_177 : vector<16xf32>
      %parallel_loop3A_179 = arith.addf %parallel_loop3A_163, %parallel_loop3A_167 : vector<16xf32>
      %parallel_loop3A_180 = arith.addf %parallel_loop3A_171, %parallel_loop3A_175 : vector<16xf32>
      %parallel_loop3A_181 = arith.addf %parallel_loop3A_179, %parallel_loop3A_180 : vector<16xf32>
      %parallel_loop3A_182 = arith.constant 1024 : i32
      %parallel_loop3A_183 = arith.addi %parallel_loop3A_182, %parallel_loop3A_13 : i32
      %parallel_loop3A_184 = arith.addf %parallel_loop3A_178, %parallel_loop3A_181 : vector<16xf32>
      %parallel_loop3A_185 = arith.index_cast %parallel_loop3A_183 : i32 to index
      %parallel_loop3A_186 = tpu.vector_load %arg6[%parallel_loop3A_185] {strides = array<i32>} : memref<2560xf32, #tpu.memory_space<vmem>>, vector<16xf32>,
      %parallel_loop3A_187 = arith.mulf %parallel_loop3A_184, %parallel_loop3A_186 : vector<16xf32>
      %parallel_loop3A_188 = arith.constant 1.250000e-01 : f32
      %parallel_loop3A_189 = vector.broadcast %parallel_loop3A_188 : f32 to vector<16xf32>
      %parallel_loop3A_190 = arith.mulf %parallel_loop3A_187, %parallel_loop3A_189 : vector<16xf32>
      %parallel_loop3A_191 = arith.index_cast %parallel_loop3A_183 : i32 to index
      %parallel_loop3A_192 = tpu.vector_load %arg9[%parallel_loop3A_191] {strides = array<i32>} : memref<2560xf32, #tpu.memory_space<vmem>>, vector<16xf32>,
      tpu.vector_store %arg9[%parallel_loop3A_191], %parallel_loop3A_190 {strides = array<i32>} : memref<2560xf32, #tpu.memory_space<vmem>>, vector<16xf32>,
      %parallel_loop3A_193 = arith.constant 1536 : i32
      %parallel_loop3A_194 = vector.broadcast %parallel_loop3A_193 : i32 to vector<16xi32>
      %parallel_loop3A_195 = arith.addi %parallel_loop3A_17, %parallel_loop3A_194 : vector<16xi32>
      %parallel_loop3A_196 = tpu.vector_load_idx %arg7[%parallel_loop3A_195] : memref<2560xf32, #tpu.memory_space<vmem>>[vector<16xi32>], vector<16xf32>,
      %parallel_loop3A_197 = arith.constant 1536 : i32
      %parallel_loop3A_198 = vector.broadcast %parallel_loop3A_197 : i32 to vector<16xi32>
      %parallel_loop3A_199 = arith.addi %parallel_loop3A_21, %parallel_loop3A_198 : vector<16xi32>
      %parallel_loop3A_200 = tpu.vector_load_idx %arg7[%parallel_loop3A_199] : memref<2560xf32, #tpu.memory_space<vmem>>[vector<16xi32>], vector<16xf32>,
      %parallel_loop3A_201 = arith.constant 1536 : i32
      %parallel_loop3A_202 = vector.broadcast %parallel_loop3A_201 : i32 to vector<16xi32>
      %parallel_loop3A_203 = arith.addi %parallel_loop3A_25, %parallel_loop3A_202 : vector<16xi32>
      %parallel_loop3A_204 = tpu.vector_load_idx %arg7[%parallel_loop3A_203] : memref<2560xf32, #tpu.memory_space<vmem>>[vector<16xi32>], vector<16xf32>,
      %parallel_loop3A_205 = arith.constant 1536 : i32
      %parallel_loop3A_206 = vector.broadcast %parallel_loop3A_205 : i32 to vector<16xi32>
      %parallel_loop3A_207 = arith.addi %parallel_loop3A_29, %parallel_loop3A_206 : vector<16xi32>
      %parallel_loop3A_208 = tpu.vector_load_idx %arg7[%parallel_loop3A_207] : memref<2560xf32, #tpu.memory_space<vmem>>[vector<16xi32>], vector<16xf32>,
      %parallel_loop3A_209 = arith.constant 1536 : i32
      %parallel_loop3A_210 = vector.broadcast %parallel_loop3A_209 : i32 to vector<16xi32>
      %parallel_loop3A_211 = arith.addi %parallel_loop3A_33, %parallel_loop3A_210 : vector<16xi32>
      %parallel_loop3A_212 = tpu.vector_load_idx %arg7[%parallel_loop3A_211] : memref<2560xf32, #tpu.memory_space<vmem>>[vector<16xi32>], vector<16xf32>,
      %parallel_loop3A_213 = arith.constant 1536 : i32
      %parallel_loop3A_214 = vector.broadcast %parallel_loop3A_213 : i32 to vector<16xi32>
      %parallel_loop3A_215 = arith.addi %parallel_loop3A_37, %parallel_loop3A_214 : vector<16xi32>
      %parallel_loop3A_216 = tpu.vector_load_idx %arg7[%parallel_loop3A_215] : memref<2560xf32, #tpu.memory_space<vmem>>[vector<16xi32>], vector<16xf32>,
      %parallel_loop3A_217 = arith.constant 1536 : i32
      %parallel_loop3A_218 = vector.broadcast %parallel_loop3A_217 : i32 to vector<16xi32>
      %parallel_loop3A_219 = arith.addi %parallel_loop3A_41, %parallel_loop3A_218 : vector<16xi32>
      %parallel_loop3A_220 = tpu.vector_load_idx %arg7[%parallel_loop3A_219] : memref<2560xf32, #tpu.memory_space<vmem>>[vector<16xi32>], vector<16xf32>,
      %parallel_loop3A_221 = arith.constant 1536 : i32
      %parallel_loop3A_222 = vector.broadcast %parallel_loop3A_221 : i32 to vector<16xi32>
      %parallel_loop3A_223 = arith.addi %parallel_loop3A_45, %parallel_loop3A_222 : vector<16xi32>
      %parallel_loop3A_224 = tpu.vector_load_idx %arg7[%parallel_loop3A_223] : memref<2560xf32, #tpu.memory_space<vmem>>[vector<16xi32>], vector<16xf32>,
      %parallel_loop3A_225 = arith.addf %parallel_loop3A_196, %parallel_loop3A_200 : vector<16xf32>
      %parallel_loop3A_226 = arith.addf %parallel_loop3A_204, %parallel_loop3A_208 : vector<16xf32>
      %parallel_loop3A_227 = arith.addf %parallel_loop3A_225, %parallel_loop3A_226 : vector<16xf32>
      %parallel_loop3A_228 = arith.addf %parallel_loop3A_212, %parallel_loop3A_216 : vector<16xf32>
      %parallel_loop3A_229 = arith.addf %parallel_loop3A_220, %parallel_loop3A_224 : vector<16xf32>
      %parallel_loop3A_230 = arith.addf %parallel_loop3A_228, %parallel_loop3A_229 : vector<16xf32>
      %parallel_loop3A_231 = arith.constant 1536 : i32
      %parallel_loop3A_232 = arith.addi %parallel_loop3A_231, %parallel_loop3A_13 : i32
      %parallel_loop3A_233 = arith.addf %parallel_loop3A_227, %parallel_loop3A_230 : vector<16xf32>
      %parallel_loop3A_234 = arith.index_cast %parallel_loop3A_232 : i32 to index
      %parallel_loop3A_235 = tpu.vector_load %arg6[%parallel_loop3A_234] {strides = array<i32>} : memref<2560xf32, #tpu.memory_space<vmem>>, vector<16xf32>,
      %parallel_loop3A_236 = arith.mulf %parallel_loop3A_233, %parallel_loop3A_235 : vector<16xf32>
      %parallel_loop3A_237 = arith.constant 1.250000e-01 : f32
      %parallel_loop3A_238 = vector.broadcast %parallel_loop3A_237 : f32 to vector<16xf32>
      %parallel_loop3A_239 = arith.mulf %parallel_loop3A_236, %parallel_loop3A_238 : vector<16xf32>
      %parallel_loop3A_240 = arith.index_cast %parallel_loop3A_232 : i32 to index
      %parallel_loop3A_241 = tpu.vector_load %arg9[%parallel_loop3A_240] {strides = array<i32>} : memref<2560xf32, #tpu.memory_space<vmem>>, vector<16xf32>,
      tpu.vector_store %arg9[%parallel_loop3A_240], %parallel_loop3A_239 {strides = array<i32>} : memref<2560xf32, #tpu.memory_space<vmem>>, vector<16xf32>,
      %parallel_loop3A_242 = arith.constant 2048 : i32
      %parallel_loop3A_243 = vector.broadcast %parallel_loop3A_242 : i32 to vector<16xi32>
      %parallel_loop3A_244 = arith.addi %parallel_loop3A_17, %parallel_loop3A_243 : vector<16xi32>
      %parallel_loop3A_245 = tpu.vector_load_idx %arg7[%parallel_loop3A_244] : memref<2560xf32, #tpu.memory_space<vmem>>[vector<16xi32>], vector<16xf32>,
      %parallel_loop3A_246 = arith.constant 2048 : i32
      %parallel_loop3A_247 = vector.broadcast %parallel_loop3A_246 : i32 to vector<16xi32>
      %parallel_loop3A_248 = arith.addi %parallel_loop3A_21, %parallel_loop3A_247 : vector<16xi32>
      %parallel_loop3A_249 = tpu.vector_load_idx %arg7[%parallel_loop3A_248] : memref<2560xf32, #tpu.memory_space<vmem>>[vector<16xi32>], vector<16xf32>,
      %parallel_loop3A_250 = arith.constant 2048 : i32
      %parallel_loop3A_251 = vector.broadcast %parallel_loop3A_250 : i32 to vector<16xi32>
      %parallel_loop3A_252 = arith.addi %parallel_loop3A_25, %parallel_loop3A_251 : vector<16xi32>
      %parallel_loop3A_253 = tpu.vector_load_idx %arg7[%parallel_loop3A_252] : memref<2560xf32, #tpu.memory_space<vmem>>[vector<16xi32>], vector<16xf32>,
      %parallel_loop3A_254 = arith.constant 2048 : i32
      %parallel_loop3A_255 = vector.broadcast %parallel_loop3A_254 : i32 to vector<16xi32>
      %parallel_loop3A_256 = arith.addi %parallel_loop3A_29, %parallel_loop3A_255 : vector<16xi32>
      %parallel_loop3A_257 = tpu.vector_load_idx %arg7[%parallel_loop3A_256] : memref<2560xf32, #tpu.memory_space<vmem>>[vector<16xi32>], vector<16xf32>,
      %parallel_loop3A_258 = arith.constant 2048 : i32
      %parallel_loop3A_259 = vector.broadcast %parallel_loop3A_258 : i32 to vector<16xi32>
      %parallel_loop3A_260 = arith.addi %parallel_loop3A_33, %parallel_loop3A_259 : vector<16xi32>
      %parallel_loop3A_261 = tpu.vector_load_idx %arg7[%parallel_loop3A_260] : memref<2560xf32, #tpu.memory_space<vmem>>[vector<16xi32>], vector<16xf32>,
      %parallel_loop3A_262 = arith.constant 2048 : i32
      %parallel_loop3A_263 = vector.broadcast %parallel_loop3A_262 : i32 to vector<16xi32>
      %parallel_loop3A_264 = arith.addi %parallel_loop3A_37, %parallel_loop3A_263 : vector<16xi32>
      %parallel_loop3A_265 = tpu.vector_load_idx %arg7[%parallel_loop3A_264] : memref<2560xf32, #tpu.memory_space<vmem>>[vector<16xi32>], vector<16xf32>,
      %parallel_loop3A_266 = arith.constant 2048 : i32
      %parallel_loop3A_267 = vector.broadcast %parallel_loop3A_266 : i32 to vector<16xi32>
      %parallel_loop3A_268 = arith.addi %parallel_loop3A_41, %parallel_loop3A_267 : vector<16xi32>
      %parallel_loop3A_269 = tpu.vector_load_idx %arg7[%parallel_loop3A_268] : memref<2560xf32, #tpu.memory_space<vmem>>[vector<16xi32>], vector<16xf32>,
      %parallel_loop3A_270 = arith.constant 2048 : i32
      %parallel_loop3A_271 = vector.broadcast %parallel_loop3A_270 : i32 to vector<16xi32>
      %parallel_loop3A_272 = arith.addi %parallel_loop3A_45, %parallel_loop3A_271 : vector<16xi32>
      %parallel_loop3A_273 = tpu.vector_load_idx %arg7[%parallel_loop3A_272] : memref<2560xf32, #tpu.memory_space<vmem>>[vector<16xi32>], vector<16xf32>,
      %parallel_loop3A_274 = arith.addf %parallel_loop3A_245, %parallel_loop3A_249 : vector<16xf32>
      %parallel_loop3A_275 = arith.addf %parallel_loop3A_253, %parallel_loop3A_257 : vector<16xf32>
      %parallel_loop3A_276 = arith.addf %parallel_loop3A_274, %parallel_loop3A_275 : vector<16xf32>
      %parallel_loop3A_277 = arith.addf %parallel_loop3A_261, %parallel_loop3A_265 : vector<16xf32>
      %parallel_loop3A_278 = arith.addf %parallel_loop3A_269, %parallel_loop3A_273 : vector<16xf32>
      %parallel_loop3A_279 = arith.addf %parallel_loop3A_277, %parallel_loop3A_278 : vector<16xf32>
      %parallel_loop3A_280 = arith.constant 2048 : i32
      %parallel_loop3A_281 = arith.addi %parallel_loop3A_280, %parallel_loop3A_13 : i32
      %parallel_loop3A_282 = arith.addf %parallel_loop3A_276, %parallel_loop3A_279 : vector<16xf32>
      %parallel_loop3A_283 = arith.index_cast %parallel_loop3A_281 : i32 to index
      %parallel_loop3A_284 = tpu.vector_load %arg6[%parallel_loop3A_283] {strides = array<i32>} : memref<2560xf32, #tpu.memory_space<vmem>>, vector<16xf32>,
      %parallel_loop3A_285 = arith.mulf %parallel_loop3A_282, %parallel_loop3A_284 : vector<16xf32>
      %parallel_loop3A_286 = arith.constant 1.250000e-01 : f32
      %parallel_loop3A_287 = vector.broadcast %parallel_loop3A_286 : f32 to vector<16xf32>
      %parallel_loop3A_288 = arith.mulf %parallel_loop3A_285, %parallel_loop3A_287 : vector<16xf32>
      %parallel_loop3A_289 = arith.index_cast %parallel_loop3A_281 : i32 to index
      %parallel_loop3A_290 = tpu.vector_load %arg9[%parallel_loop3A_289] {strides = array<i32>} : memref<2560xf32, #tpu.memory_space<vmem>>, vector<16xf32>,
      tpu.vector_store %arg9[%parallel_loop3A_289], %parallel_loop3A_288 {strides = array<i32>} : memref<2560xf32, #tpu.memory_space<vmem>>, vector<16xf32>,
    } {sc.loop_unroll_factor = 1 : i64, sc.parallel_access}
    "tpu.region"() ({
      %run_scoped3A = tpu.sem_alloc : memref<!tpu.dma_semaphore, #tpu.memory_space<semaphore_mem>>
      %dma_start3A_11 = tpu.memref_slice %arg5[%mul3A_2] : memref<81920xf32, #tpu.memory_space<hbm>> -> memref<2560xf32, #tpu.memory_space<hbm>>
      %dma_start3A_12 = tpu.memref_slice %arg5[%mul3A_2] : memref<81920xf32, #tpu.memory_space<hbm>> -> memref<2560xf32, #tpu.memory_space<hbm>>
      tpu.enqueue_dma source(%arg9 : memref<2560xf32, #tpu.memory_space<vmem>>) target(%dma_start3A_12 : memref<2560xf32, #tpu.memory_space<hbm>>) target_semaphore(%run_scoped3A : memref<!tpu.dma_semaphore, #tpu.memory_space<semaphore_mem>>)
      %dma_wait3A_13 = tpu.memref_slice %arg5[%mul3A_2] : memref<81920xf32, #tpu.memory_space<hbm>> -> memref<2560xf32, #tpu.memory_space<hbm>>
      %dma_wait3A_14 = tpu.memref_slice %arg5[%mul3A_2] : memref<81920xf32, #tpu.memory_space<hbm>> -> memref<2560xf32, #tpu.memory_space<hbm>>
      tpu.wait_dma2 semaphore(%run_scoped3A : memref<!tpu.dma_semaphore, #tpu.memory_space<semaphore_mem>>) src(%arg9 : memref<2560xf32, #tpu.memory_space<vmem>>) dst(%dma_wait3A_14 : memref<2560xf32, #tpu.memory_space<hbm>>)
      tpu.yield
    }) : () -> ()
    return
  }
}

</mosaic_0001>

<sc_bundles>
// kernel: kernel.3.cloned.1.call-start
scs
__scs_entry_jumppad:
0x0: {  	(pc) =	sbr.rel $0x88, $3  }
0x1: {  	(tag) =	ssettag $0x0;
	lr =	simm.s32 $0x1  }
0x2: {  	[smem:$0x3F9E] =	sst lr;
	_ =	strace $0xD0000000  }
0x3: {  	_ = 	snop  }
0x4: {  	_ = 	snop  }
0x5: {  	_ = 	snop  }
0x6: {  	_ = 	snop  }
0x7: {  	_ = 	snop  }
__scs_overlays_trampoline_lowered:
0x8: {  	[smem:$0x3FAD] =	sst s0  }
0x9: {  	[smem:$0x3FAE] =	sst s1  }
0xa: {  	[smem:$0x3FAF] =	sst s2  }
0xb: {  	[smem:$0x3FB0] =	sst s3  }
0xc: {  	[smem:$0x3FB1] =	sst s4  }
0xd: {  	[smem:$0x3FB2] =	sst s5  }
0xe: {  	[smem:$0x3FB3] =	sst s6  }
0xf: {  	[smem:$0x3FB4] =	sst s7  }
0x10: {  	[smem:$0x3FB5] =	sst s8  }
0x11: {  	[smem:$0x3FB6] =	sst s9;
	s0 =	simm.s32 @!p0 $0x0  }
0x12: {  	s1 =	sld [smem:$0x3F9C];
	s0 =	simm.s32 @p0 $0x1  }
0x13: {  	[smem:$0x3FB7] =	sst s0;
	s0 =	simm.s32 @!p1 $0x0  }
0x14: {  	s2 =	sld [smem:$0x3F9B];
	s0 =	simm.s32 @p1 $0x1  }
0x15: {  	[smem:$0x3FB8] =	sst s0;
	s0 =	simm.s32 @!p2 $0x0  }
0x16: {  	s3 =	sld [smem:$0x3FDB];
	s0 =	simm.s32 @p2 $0x1  }
0x17: {  	s4 =	simm.s32 $0x1BF5;
	[smem:$0x3FBA] =	sst s0  }
0x18: {  	s0 =	sld [smem:$0x3F9D];
	_ =	swait.ge [sflag:s4], $0x0  }
0x19: {  	s7 =	sld [smem:$0x3F9E]  }
0x1a: {  	s8 =	sadd.s32 $0xFFFFE003, lr  }
0x1b: {  	s9 =	sadd.s32 $0xFFFFFEF7, lr;
	s5 =	simm.s32 $0xFFFFFFFF;
	p2 =	slt.u32 s8, $0xFFFFF086  }
0x1c: {  	p1 =	slt.u32 s9, $0xF7A;
	s5 =	simm.s32 @!p2 $0x0  }
0x1d: {  	s5 =	simm.s32 @p1 $0x1;
	p0 =	seq.s32 s7, s2  }
0x1e: {  	s7 =	smul.u32 @!p0 $0xF7A, s2;
	p2 =	seq.s32 @!p0 s5, $0x0  }
0x1f: {  	s9 =	smul.u32 $0xF7A, s1;
	s8 =	simm.s32 @!p0 $0x1BF5;
	p2 =	por !p2, p0  }
0x20: {  	[sflag:s8] =	ssyncset.s32 @!p0 $0xFFFFF086;
	s6 =	sadd.s32 @!p0 s3, s7;
	s7 =	simm.s32 @!p0 $0x108  }
0x21: {  	s3 =	sadd.s32 s3, s9;
	s6 =	sadd.s32 @!p0 $0x88, s6;
	s7 =	simm.s32 @p2 $0x1082  }
0x22: {  	[simem:s7], [sflag:s8] =	dma.local @!p0 [hbm:s6], $0xF7A  }
0x23: {  	s9 =	sor.u32 $0xD0000000, s2;
	s6 =	simm.s32 $0x108;
	_ =	swait.ge @!p0 [sflag:s8], $0x0  }
0x24: {  	s3 =	sadd.s32 $0x88, s3;
	s6 =	simm.s32 @!p1 $0x1082;
	[sflag:s4] =	ssyncset.s32 $0xFFFFF086  }
0x25: {  	[simem:s6], [sflag:s4] =	dma.local [hbm:s3], $0xF7A  }
0x26: {  	[smem:$0x3F9E] =	sst s1;
	(tag) =	ssettag s2;
	_ =	strace s9  }
0x27: {  	s1 =	sld [smem:$0x3FAE]  }
0x28: {  	s2 =	sld [smem:$0x3FAF]  }
0x29: {  	s4 =	sld [smem:$0x3FB1]  }
0x2a: {  	p0 =	seq.s32 s5, $0x0;
	s5 =	sld [smem:$0x3FB2]  }
0x2b: {  	s6 =	sld [smem:$0x3FB3]  }
0x2c: {  	s7 =	sld [smem:$0x3FB4]  }
0x2d: {  	s3 =	simm.s32 $0x108;
	s8 =	sld [smem:$0x3FB5]  }
0x2e: {  	s3 =	simm.s32 @!p0 $0x1082;
	s9 =	sld [smem:$0x3FB6]  }
0x2f: {  	lr =	sadd.s32 s0, s3;
	s0 =	sld [smem:$0x3FAD]  }
0x30: {  	s3 =	sld [smem:$0x3FB0]  }
0x31: {  	[smem:$0x3FB9] =	sst s10  }
0x32: {  	s10 =	sld [smem:$0x3FB7];
	_ =	sdelay $0x3  }
0x33: {  	p0 =	seq.s32 s10, $0x1;
	s10 =	sld [smem:$0x3FB9];
	_ =	sdelay $0x3  }
0x34: {  	[smem:$0x3FB9] =	sst s10  }
0x35: {  	s10 =	sld [smem:$0x3FB8];
	_ =	sdelay $0x3  }
0x36: {  	p1 =	seq.s32 s10, $0x1;
	s10 =	sld [smem:$0x3FB9];
	_ =	sdelay $0x3  }
0x37: {  	[smem:$0x3FB9] =	sst s10  }
0x38: {  	s10 =	sld [smem:$0x3FBA]  }
0x39: {  	_ = 	snop;
	(pc) =	sbr.ind lr, $3  }
0x3a: {  	_ = 	snop  }
0x3b: {  	_ = 	snop  }
0x3c: {  	p2 =	seq.s32 s10, $0x1;
	s10 =	sld [smem:$0x3FB9]  }
0x3d: {  	_ =	shalt  }
0x3e: {  	_ =	shalt  }
0x3f: {  	_ =	shalt  }
0x40: {  	_ =	shalt  }
0x41: {  	_ =	shalt  }
0x42: {  	_ =	shalt  }
0x43: {  	_ =	shalt  }
0x44: {  	_ =	shalt  }
0x45: {  	_ =	shalt  }
0x46: {  	_ =	shalt  }
0x47: {  	_ =	shalt  }
0x48: {  	_ =	shalt  }
0x49: {  	_ =	shalt  }
0x4a: {  	_ =	shalt  }
0x4b: {  	_ =	shalt  }
0x4c: {  	_ =	shalt  }
0x4d: {  	_ =	shalt  }
0x4e: {  	_ =	shalt  }
0x4f: {  	_ =	shalt  }
0x50: {  	_ =	shalt  }
0x51: {  	_ =	shalt  }
0x52: {  	_ =	shalt  }
0x53: {  	_ =	shalt  }
0x54: {  	_ =	shalt  }
0x55: {  	_ =	shalt  }
0x56: {  	_ =	shalt  }
0x57: {  	_ =	shalt  }
0x58: {  	_ =	shalt  }
0x59: {  	_ =	shalt  }
0x5a: {  	_ =	shalt  }
0x5b: {  	_ =	shalt  }
0x5c: {  	_ =	shalt  }
0x5d: {  	_ =	shalt  }
0x5e: {  	_ =	shalt  }
0x5f: {  	_ =	shalt  }
0x60: {  	_ =	shalt  }
0x61: {  	_ =	shalt  }
0x62: {  	_ =	shalt  }
0x63: {  	_ =	shalt  }
0x64: {  	_ =	shalt  }
0x65: {  	_ =	shalt  }
0x66: {  	_ =	shalt  }
0x67: {  	_ =	shalt  }
0x68: {  	_ =	shalt  }
0x69: {  	_ =	shalt  }
0x6a: {  	_ =	shalt  }
0x6b: {  	_ =	shalt  }
0x6c: {  	_ =	shalt  }
0x6d: {  	_ =	shalt  }
0x6e: {  	_ =	shalt  }
0x6f: {  	_ =	shalt  }
0x70: {  	_ =	shalt  }
0x71: {  	_ =	shalt  }
0x72: {  	_ =	shalt  }
0x73: {  	_ =	shalt  }
0x74: {  	_ =	shalt  }
0x75: {  	_ =	shalt  }
0x76: {  	_ =	shalt  }
0x77: {  	_ =	shalt  }
0x78: {  	_ =	shalt  }
0x79: {  	_ =	shalt  }
0x7a: {  	_ =	shalt  }
0x7b: {  	_ =	shalt  }
0x7c: {  	_ =	shalt  }
0x7d: {  	_ =	shalt  }
0x7e: {  	_ =	shalt  }
0x7f: {  	_ =	shalt  }
0x80: {  	_ =	shalt  }
0x81: {  	_ =	shalt  }
0x82: {  	_ =	shalt  }
0x83: {  	_ =	shalt  }
0x84: {  	_ =	shalt  }
0x85: {  	_ =	shalt  }
0x86: {  	_ =	shalt  }
0x87: {  	_ =	shalt  }
.Lfunc_end0:
.L_simem_size_0:
called_computation_lowered:
.L_overlay_start_0:
0x88: {  	s2 =	sld [smem:$0x3FD9]  }
0x89: {  	s3 =	sld [smem:$0x3FFE];
	_ =	sdelay $0x1  }
0x8a: {  	s1 =	srdreg.scid  }
0x8b: {  	s0 =	sand.u32 $0x1, s1  }
0x8c: {  	s17 =	sshll.u32 s0, $0xA;
	s2 =	sadd.s32 s3, s2  }
0x8d: {  	s2 =	sadd.s32 s2, s17  }
0x8e: {  	[smem:$0x3FC5] =	sst s2  }
0x8f: {  	_ = 	snop  }
0x90: {  	s2 =	sld [smem:$0x3FD0];
	(tm) =	ssettm $0x1  }
0x91: {  	s18 =	sld [smem:$0x3FFB];
	_ =	sdelay $0x3  }
0x92: {  	_ =	strace s18  }
0x93: {  	s3 =	sld [smem:$0x3FFC];
	_ =	sdelay $0x3  }
0x94: {  	_ =	strace s3  }
0x95: {  	s3 =	sld [smem:$0x3FFD];
	_ =	sdelay $0x3  }
0x96: {  	_ =	strace s3  }
0x97: {  	_ =	strace $0x8FFFFFFF  }
0x98: {  	s19 =	sld [smem:$0x3FDB];
	_ =	sdelay $0x1  }
0x99: {  	s4 =	simm.s32 $_scs_section_size  }
0x9a: {  	s5 =	simm.s32 $_size__tile_overlayer_lowered;
	s6 =	simm.s32 $_tile_overlayer_lowered  }
0x9b: {  	s22 =	simm.s32 $0x1BFF;
	s21 =	sshll.u32 s6, $0x1;
	s3 =	sadd.s32 s4, s19  }
0x9c: {  	s7 =	simm.s32 $0x0;
	s20 =	sshll.u32 s5, $0x1;
	s5 =	sadd.s32 s21, s3  }
0x9d: {  	[timem:s7], [sflag:s22] =	dma.local [hbm:s5], s20  }
0x9e: {  	_ =	swait.ge [sflag:s22], s20  }
0x9f: {  	s4 =	ssub.s32 $0x0, s20;
	[sflag:s22] =	ssyncset.done $0x0  }
0xa0: {  	[sflag:s22] =	ssyncadd.s32 s4;
	_ =	sdelay $0x1  }
0xa1: {  	s23 =	simm.s32 $0x1B8B  }
0xa2: {  	_ =	swait.ge [sflag:s23], $0x1  }
0xa3: {  	[sflag:s23] =	ssyncset.done $0x0  }
0xa4: {  	s25 =	simm.s32 $0x1B8E;
	s24 =	sld [smem:$0x3FFE];
	[sflag:s23] =	ssyncadd.s32 $0xFFFFFFFF  }
0xa5: {  	s26 =	simm.s32 $execute0_lowered;
	[smem:$0x3FD2] =	sst s25  }
0xa6: {  	s5 =	sshll.u32 s26, $0x1;
	_ =	strace $0x80000046;
	[dreg:$0x1] =	wrdreg $0xFFFFFFFF  }
0xa7: {  	s28 =	simm.s32 $_size_execute0_lowered;
	s3 =	sadd.s32 s3, s5;
	[dreg:$0x0] =	wrdreg $0x0  }
0xa8: {  	s5 =	sshll.u32 s28, $0x1;
	[dreg:$0x2] =	wrdreg s3  }
0xa9: {  	[dreg:$0x3] =	wrdreg s5  }
0xaa: {  	[dreg:$0x4] =	wrdreg $0xC0  }
0xab: {  	_ =	task [dreg:s7], $0x5FFFF  }
0xac: {  	[dreg:$0x1] =	wrdreg $0xFFFFFFFF  }
0xad: {  	[dreg:$0x0] =	wrdreg $0x60  }
0xae: {  	[dreg:$0x2] =	wrdreg s2  }
0xaf: {  	[dreg:$0x3] =	wrdreg s24  }
0xb0: {  	[dreg:$0x4] =	wrdreg $0x9  }
0xb1: {  	_ =	task.clear_ibuf [dreg:s7], $0x5FFFF;
	_ =	strace $0x90000046  }
0xb2: {  	s29 =	simm.s32 $0x9;
	_ =	strace $0x80000048  }
0xb3: {  	_ =	swait.ge [sflag:s29], $0x1  }
0xb4: {  	[sflag:s29] =	ssyncadd.s32 $0xFFFFFFFF  }
0xb5: {  	_ =	strace $0x90000048  }
0xb6: {  	_ =	sfence  }
0xb7: {  	s30 =	sld [smem:$0x0];
	_ =	sdelay $0x2  }
0xb8: {  	s31 =	sshll.u32 s1, $0xD;
	s1 =	sshrl.u32 s1, $0x2  }
0xb9: {  	s3 =	sand.u32 $0x4000, s31;
	s1 =	sadd.s32 s1, s30  }
0xba: {  	s0 =	sor.u32 s3, s0;
	s1 =	sshll.u32 s1, $0x11  }
0xbb: {  	s0 =	sor.u32 s1, s0  }
0xbc: {  	s0 =	sadd.s32 $0x8F2B, s0  }
0xbd: {  	[sflag:s0] =	ssyncadd.remote.s32 $0x1  }
0xbe: {  	_ =	sfence.sel $0xFFFF  }
0xbf: {  	[dreg:$0x0] =	wrdreg $0xFFFFFFFF;
	(pc) =	sbr.abs _section_cstart, $3  }
0xc0: {  	[dreg:$0x1] =	wrdreg $0xFFFFFFFF  }
0xc1: {  	_ =	task.clear_ibuf [dreg:s7], $0x2FFFF;
	_ =	strace $0x9FFFFFFF  }
0xc2: {  	(tm) =	ssettm $0x7FFFFFFF  }
0xc3: {  	_ =	shalt  }
tec
execute0_lowered:
.L_overlay_start_1:
0x0: {  	(tag) =	ssettag $0x1  }
0x1: {  	s5 =	rddreg [dreg:$0x0];
	s1 =	srdreg.scid  }
0x2: {  	s0 =	stileid.u32;
	s4 =	rddreg [dreg:$0x1];
	s2 =	simm.s32 $0x0  }
0x3: {  	s10 =	simm.s32 $0x1;
	s11 =	simm.s32 $0x2;
	s12 =	simm.s32 $0x3  }
0x4: {  	s13 =	simm.s32 $0x2400;
	s14 =	simm.s32 $0x4;
	s15 =	simm.s32 $0x0  }
0x5: {  	s3 =	sand.u32 $0x1, s1;
	s6 =	sshll.u32 s0, $0x1;
	s1 =	rddreg [dreg:$0x2]  }
0x6: {  	[smem:$0x7FF] =	sst s2;
	s6 =	sor.u32 s3, s6;
	s7 =	ssub.s32 $0x2, s3  }
0x7: {  	_ =	strace $0x80000047;
	s6 =	smul.u32 $0x140, s6;
	s8 =	sshrl.u32 s7, $0x1  }
0x8: {  	s3 =	sadd.s32 $0x600, s4;
	s7 =	ssub.s32 s7, s8;
	s8 =	simm.s32 $0x1400  }
0x9: {  	s9 =	sadd.s32 s6, s4;
	s5 =	sadd.s32 s5, s6;
	s7 =	smax.u32 s7, $0x1  }
0xa: {  	s4 =	sadd.s32 $0x800, s9;
	s6 =	sadd.s32 $0x3000, s9;
	s9 =	simm.s32 $0xA00  }
.LBB2_1:
0xb: {  	[tilespmem:s8], [sflag:$0x2] =	stream.linear.gather [hbm4b:s3+s2], $0x1000, $0x38;
	[tilespmem:$0x2E00] =	vst v63  }
0xc: {  	_ = 	snop  }
0xd: {  	[tilespmem:s9], [sflag:$0x1] =	stream.linear.gather [hbm4b:s4+s2], $0xA00, $0x38;
	[tilespmem:$0x2E00] =	vst v63  }
0xe: {  	_ = 	snop  }
0xf: {  	[tilespmem:s2], [sflag:$0x3] =	stream.linear.gather [hbm4b:s5+s2], $0xA00, $0x38;
	[tilespmem:$0x2E00] =	vst v63  }
0x10: {  	_ =	swait.ge [sflag:s10], $0xA00  }
0x11: {  	[sflag:s10] =	ssyncset.done $0x0  }
0x12: {  	[sflag:s10] =	ssyncadd.s32 $0xFFFFF600  }
0x13: {  	_ =	swait.ge [sflag:s11], $0x1000  }
0x14: {  	[sflag:s11] =	ssyncset.done $0x0  }
0x15: {  	[sflag:s11] =	ssyncadd.s32 $0xFFFFF000  }
0x16: {  	_ =	swait.ge [sflag:s12], $0xA00  }
0x17: {  	[sflag:s12] =	ssyncset.done $0x0  }
0x18: {  	s16 =	sand.u32 $0x1F0, s2;
	[sflag:s12] =	ssyncadd.s32 $0xFFFFF600  }
0x19: {  	s17 =	simm.s32 $0x1800;
	v1 =	vld [tilespmem:s16+$0x2000]  }
0x1a: {  	v3 =	vld [tilespmem:s17+$0x400]  }
0x1b: {  	v0 =	vld [tilespmem:s17+$0xFFFFFE00]  }
0x1c: {  	v6 =	vld [tilespmem:s17+$0xFFFFFC00]  }
0x1d: {  	v5 =	vld [tilespmem:s17+$0x200]  }
0x1e: {  	v2 =	vld [tilespmem:s16+$0x2200]  }
0x1f: {  	v7 =	vld [tilespmem:s17+$0x0]  }
0x20: {  	v4 =	vld [tilespmem:s16+$0x1E00]  }
0x21: {  	v8 =	vld.idx.msk [tilespmem:v1+s9+$0x0], $0xffff  }
0x22: {  	v9 =	vld.idx.msk [tilespmem:v3+s9+$0x0], $0xffff  }
0x23: {  	v10 =	vld.idx.msk [tilespmem:v0+s9+$0x0], $0xffff  }
0x24: {  	v11 =	vld.idx.msk [tilespmem:v6+s9+$0x0], $0xffff  }
0x25: {  	v12 =	vld.idx.msk [tilespmem:v5+s9+$0x0], $0xffff  }
0x26: {  	v13 =	vld.idx.msk [tilespmem:v2+s9+$0x0], $0xffff  }
0x27: {  	v14 =	vld.idx.msk [tilespmem:v7+s9+$0x0], $0xffff  }
0x28: {  	v15 =	vld.idx.msk [tilespmem:v4+s9+$0x0], $0xffff;
	_ =	sdelay $0x3  }
0x29: {  	v8 =	vadd.f32 v13, v8;
	v10 =	vadd.f32 v10, v11  }
0x2a: {  	s17 =	simm.s32 $0x400;
	v11 =	vadd.f32 v12, v14;
	v9 =	vadd.f32 v15, v9  }
0x2b: {  	v12 =	vld [tilespmem:s17+$0xFFFFFC00]  }
0x2c: {  	v10 =	vadd.f32 v11, v10;
	v8 =	vadd.f32 v8, v9;
	_ =	sdelay $0x1  }
0x2d: {  	v8 =	vadd.f32 v8, v10;
	_ =	sdelay $0x1  }
0x2e: {  	v9 =	vadd.s32 $0x200, v0;
	v8 =	vmul.f32 v8, v12  }
0x2f: {  	v10 =	vadd.s32 $0x200, v6  }
0x30: {  	v11 =	vadd.s32 $0x200, v2;
	v8 =	vmul.f32 $1.250000000e-01, v8  }
0x31: {  	s16 =	simm.s32 $0x2800;
	v12 =	vadd.s32 $0x200, v1  }
0x32: {  	v13 =	vadd.s32 $0x200, v5;
	[tilespmem:s16+$0xFFFFFC00] =	vst v8  }
0x33: {  	v14 =	vadd.s32 $0x200, v7;
	v8 =	vld.idx.msk [tilespmem:v9+s9+$0x0], $0xffff  }
0x34: {  	v15 =	vadd.s32 $0x200, v4;
	v10 =	vld.idx.msk [tilespmem:v10+s9+$0x0], $0xffff  }
0x35: {  	v9 =	vadd.s32 $0x200, v3;
	v11 =	vld.idx.msk [tilespmem:v11+s9+$0x0], $0xffff  }
0x36: {  	v12 =	vld.idx.msk [tilespmem:v12+s9+$0x0], $0xffff  }
0x37: {  	v13 =	vld.idx.msk [tilespmem:v13+s9+$0x0], $0xffff  }
0x38: {  	v14 =	vld.idx.msk [tilespmem:v14+s9+$0x0], $0xffff  }
0x39: {  	v15 =	vld.idx.msk [tilespmem:v15+s9+$0x0], $0xffff  }
0x3a: {  	s18 =	simm.s32 $0x10;
	v9 =	vld.idx.msk [tilespmem:v9+s9+$0x0], $0xffff  }
0x3b: {  	s18 =	sand.u32 $0x1F0, s18  }
0x3c: {  	v16 =	vadd.f32 v8, v10;
	v8 =	vld [tilespmem:s18+$0x2000];
	_ =	sdelay $0x1  }
0x3d: {  	s19 =	simm.s32 $0x1810;
	v11 =	vadd.f32 v11, v12  }
0x3e: {  	v12 =	vadd.f32 v13, v14;
	v10 =	vld [tilespmem:s19+$0x400];
	v13 =	vadd.f32 v15, v9  }
0x3f: {  	v15 =	vld [tilespmem:s17+$0xFFFFFE00]  }
0x40: {  	v14 =	vadd.f32 v12, v16;
	v12 =	vld [tilespmem:s19+$0x200];
	v11 =	vadd.f32 v11, v13  }
0x41: {  	v9 =	vld [tilespmem:s19+$0xFFFFFE00]  }
0x42: {  	v13 =	vld [tilespmem:s19+$0xFFFFFC00];
	v11 =	vadd.f32 v11, v14  }
0x43: {  	v17 =	vld.idx.msk [tilespmem:v8+s9+$0x0], $0xffff  }
0x44: {  	v14 =	vld [tilespmem:s19+$0x0];
	v15 =	vmul.f32 v11, v15  }
0x45: {  	v11 =	vld [tilespmem:s18+$0x2200]  }
0x46: {  	v16 =	vadd.s32 $0x400, v6;
	v18 =	vmul.f32 $1.250000000e-01, v15;
	v15 =	vld [tilespmem:s18+$0x1E00]  }
0x47: {  	v19 =	vld.idx.msk [tilespmem:v10+s9+$0x0], $0xffff  }
0x48: {  	v23 =	vld.idx.msk [tilespmem:v12+s9+$0x0], $0xffff  }
0x49: {  	v20 =	vld.idx.msk [tilespmem:v9+s9+$0x0], $0xffff  }
0x4a: {  	v22 =	vadd.s32 $0x400, v2;
	[tilespmem:s16+$0xFFFFFE00] =	vst v18;
	v21 =	vld.idx.msk [tilespmem:v13+s9+$0x0], $0xffff  }
0x4b: {  	v24 =	vadd.s32 $0x400, v3;
	v16 =	vld.idx.msk [tilespmem:v16+s9+$0x0], $0xffff  }
0x4c: {  	v26 =	vadd.s32 $0x400, v5;
	v27 =	vld.idx.msk [tilespmem:v14+s9+$0x0], $0xffff  }
0x4d: {  	v18 =	vadd.s32 $0x400, v0;
	v25 =	vld.idx.msk [tilespmem:v11+s9+$0x0], $0xffff  }
0x4e: {  	v28 =	vadd.s32 $0x400, v1;
	v29 =	vld.idx.msk [tilespmem:v15+s9+$0x0], $0xffff  }
0x4f: {  	v22 =	vld.idx.msk [tilespmem:v22+s9+$0x0], $0xffff  }
0x50: {  	v30 =	vadd.s32 $0x400, v4;
	v24 =	vld.idx.msk [tilespmem:v24+s9+$0x0], $0xffff  }
0x51: {  	v31 =	vadd.s32 $0x400, v7;
	v26 =	vld.idx.msk [tilespmem:v26+s9+$0x0], $0xffff  }
0x52: {  	v18 =	vld.idx.msk [tilespmem:v18+s9+$0x0], $0xffff;
	v20 =	vadd.f32 v20, v21;
	v23 =	vadd.f32 v23, v27  }
0x53: {  	s20 =	simm.s32 $0x410;
	v21 =	vld.idx.msk [tilespmem:v28+s9+$0x0], $0xffff;
	v17 =	vadd.f32 v25, v17;
	v19 =	vadd.f32 v29, v19  }
0x54: {  	v25 =	vld [tilespmem:s20+$0xFFFFFC00]  }
0x55: {  	v27 =	vld.idx.msk [tilespmem:v30+s9+$0x0], $0xffff;
	v20 =	vadd.f32 v23, v20;
	v17 =	vadd.f32 v17, v19  }
0x56: {  	v19 =	vld.idx.msk [tilespmem:v31+s9+$0x0], $0xffff  }
0x57: {  	v17 =	vadd.f32 v17, v20;
	_ =	sdelay $0x1  }
0x58: {  	v16 =	vadd.f32 v18, v16;
	v18 =	vadd.s32 $0x200, v9;
	v17 =	vmul.f32 v17, v25  }
0x59: {  	v23 =	vadd.s32 $0x200, v11;
	v20 =	vadd.f32 v22, v21;
	v22 =	vadd.s32 $0x200, v13  }
0x5a: {  	v21 =	vadd.f32 v27, v24;
	v19 =	vadd.f32 v26, v19;
	v17 =	vmul.f32 $1.250000000e-01, v17  }
0x5b: {  	s21 =	simm.s32 $0x2810;
	v24 =	vld [tilespmem:s17+$0x0];
	v25 =	vadd.s32 $0x200, v8  }
0x5c: {  	v20 =	vadd.f32 v20, v21;
	v21 =	vadd.s32 $0x200, v14;
	v16 =	vadd.f32 v19, v16;
	[tilespmem:s21+$0xFFFFFC00] =	vst v17  }
0x5d: {  	v19 =	vadd.s32 $0x200, v12;
	v18 =	vld.idx.msk [tilespmem:v18+s9+$0x0], $0xffff  }
0x5e: {  	v17 =	vadd.s32 $0x200, v10;
	v16 =	vadd.f32 v20, v16;
	v22 =	vld.idx.msk [tilespmem:v22+s9+$0x0], $0xffff  }
0x5f: {  	v20 =	vadd.s32 $0x200, v15;
	v23 =	vld.idx.msk [tilespmem:v23+s9+$0x0], $0xffff  }
0x60: {  	v16 =	vmul.f32 v16, v24;
	v24 =	vld.idx.msk [tilespmem:v25+s9+$0x0], $0xffff;
	v25 =	vadd.s32 $0x600, v6  }
0x61: {  	v60 =	vadd.s32 $0x600, v5;
	v21 =	vld.idx.msk [tilespmem:v21+s9+$0x0], $0xffff  }
0x62: {  	v26 =	vld.idx.msk [tilespmem:v19+s9+$0x0], $0xffff;
	v19 =	vadd.s32 $0x600, v0;
	v16 =	vmul.f32 $1.250000000e-01, v16  }
0x63: {  	v59 =	vadd.s32 $0x600, v7;
	v27 =	vld.idx.msk [tilespmem:v17+s9+$0x0], $0xffff  }
0x64: {  	v62 =	vadd.s32 $0x600, v3;
	v61 =	vld.idx.msk [tilespmem:v20+s9+$0x0], $0xffff;
	[tilespmem:s16+$0x0] =	vst v16  }
0x65: {  	v16 =	vld.idx.msk [tilespmem:v25+s9+$0x0], $0xffff;
	v25 =	vadd.s32 $0x600, v4  }
0x66: {  	v32 =	vadd.s32 $0x600, v1;
	v20 =	vld.idx.msk [tilespmem:v60+s9+$0x0], $0xffff  }
0x67: {  	v17 =	vld.idx.msk [tilespmem:v19+s9+$0x0], $0xffff  }
0x68: {  	v19 =	vld.idx.msk [tilespmem:v59+s9+$0x0], $0xffff  }
0x69: {  	v18 =	vadd.f32 v18, v22;
	v63 =	vadd.f32 v26, v21;
	v21 =	vld.idx.msk [tilespmem:v62+s9+$0x0], $0xffff  }
0x6a: {  	s22 =	simm.s32 $0x20;
	v24 =	vadd.f32 v23, v24;
	v22 =	vld.idx.msk [tilespmem:v25+s9+$0x0], $0xffff  }
0x6b: {  	s23 =	simm.s32 $0x1820;
	s19 =	simm.s32 $0x410;
	s18 =	simm.s32 $0x2810;
	v23 =	vadd.s32 $0x600, v2;
	v26 =	vadd.f32 v61, v27;
	v25 =	vadd.f32 v63, v18;
	v18 =	vld.idx.msk [tilespmem:v32+s9+$0x0], $0xffff  }
.LBB2_2:
0x6c: {  	v27 =	vld [tilespmem:s23+$0xFFFFFC00];
	s24 =	sand.u32 $0x1F0, s22;
	p0 =	sne.s32 s22, $0x1F0;
	s22 =	sadd.s32 $0x10, s22  }
0x6d: {  	v28 =	vld [tilespmem:s23+$0x400]  }
0x6e: {  	v19 =	vadd.f32 v20, v19;
	v29 =	vld [tilespmem:s24+$0x2000]  }
0x6f: {  	v20 =	vld [tilespmem:s23+$0xFFFFFE00]  }
0x70: {  	v21 =	vadd.f32 v22, v21;
	v23 =	vld.idx.msk [tilespmem:v23+s9+$0x0], $0xffff  }
0x71: {  	v22 =	vld [tilespmem:s20+$0xFFFFFE00]  }
0x72: {  	v24 =	vadd.f32 v24, v26  }
0x73: {  	v26 =	vld [tilespmem:s17+$0x200]  }
0x74: {  	v24 =	vadd.f32 v24, v25;
	v30 =	vld [tilespmem:s23+$0x200]  }
0x75: {  	v31 =	vadd.s32 $0x400, v13;
	v25 =	vld [tilespmem:s23+$0x0]  }
0x76: {  	v16 =	vadd.f32 v17, v16;
	v17 =	vadd.f32 v23, v18;
	v32 =	vld.idx.msk [tilespmem:v29+s9+$0x0], $0xffff;
	v22 =	vmul.f32 v24, v22  }
0x77: {  	v23 =	vadd.s32 $0x400, v9;
	v18 =	vld [tilespmem:s24+$0x2200]  }
0x78: {  	v16 =	vadd.f32 v19, v16;
	v17 =	vadd.f32 v17, v21;
	v24 =	vld.idx.msk [tilespmem:v28+s9+$0x0], $0xffff;
	v22 =	vmul.f32 $1.250000000e-01, v22  }
0x79: {  	v21 =	vadd.s32 $0x400, v11;
	v19 =	vld [tilespmem:s24+$0x1E00]  }
0x7a: {  	v16 =	vadd.f32 v17, v16;
	v33 =	vld.idx.msk [tilespmem:v20+s9+$0x0], $0xffff;
	[tilespmem:s21+$0xFFFFFE00] =	vst v22;
	v22 =	vadd.s32 $0x400, v10  }
0x7b: {  	v17 =	vld.idx.msk [tilespmem:v31+s9+$0x0], $0xffff;
	v31 =	vadd.s32 $0x400, v12  }
0x7c: {  	v34 =	vadd.s32 $0x400, v8;
	v16 =	vmul.f32 v16, v26;
	v23 =	vld.idx.msk [tilespmem:v23+s9+$0x0], $0xffff  }
0x7d: {  	s20 =	sadd.s32 $0x10, s20;
	v26 =	vld.idx.msk [tilespmem:v27+s9+$0x0], $0xffff  }
0x7e: {  	v16 =	vmul.f32 $1.250000000e-01, v16;
	v21 =	vld.idx.msk [tilespmem:v21+s9+$0x0], $0xffff  }
0x7f: {  	v35 =	vadd.s32 $0x400, v15;
	v22 =	vld.idx.msk [tilespmem:v22+s9+$0x0], $0xffff  }
0x80: {  	v31 =	vld.idx.msk [tilespmem:v31+s9+$0x0], $0xffff;
	[tilespmem:s16+$0x200] =	vst v16  }
0x81: {  	v16 =	vld.idx.msk [tilespmem:v34+s9+$0x0], $0xffff  }
0x82: {  	v36 =	vadd.s32 $0x400, v14;
	v17 =	vadd.f32 v23, v17;
	v34 =	vld.idx.msk [tilespmem:v30+s9+$0x0], $0xffff  }
0x83: {  	v23 =	vld.idx.msk [tilespmem:v18+s9+$0x0], $0xffff  }
0x84: {  	v37 =	vadd.s32 $0x800, v6;
	v6 =	vmov v13;
	v13 =	vmov v27;
	v35 =	vld.idx.msk [tilespmem:v35+s9+$0x0], $0xffff  }
0x85: {  	v27 =	vld.idx.msk [tilespmem:v25+s9+$0x0], $0xffff  }
0x86: {  	v39 =	vadd.s32 $0x800, v7;
	v7 =	vmov v14;
	s21 =	sadd.s32 $0x10, s21;
	v14 =	vmov v25;
	v38 =	vld.idx.msk [tilespmem:v19+s9+$0x0], $0xffff  }
0x87: {  	v25 =	vld.idx.msk [tilespmem:v36+s9+$0x0], $0xffff;
	v36 =	vadd.s32 $0x800, v5;
	v5 =	vmov v12;
	v12 =	vmov v30  }
0x88: {  	v40 =	vadd.s32 $0x800, v3;
	v3 =	vmov v10;
	v10 =	vmov v28;
	v30 =	vld [tilespmem:s20+$0xFFFFFC00]  }
0x89: {  	v28 =	vadd.s32 $0x800, v4;
	v4 =	vmovc v15;
	v16 =	vadd.f32 v21, v16;
	v23 =	vadd.f32 v23, v32;
	v21 =	vld.idx.msk [tilespmem:v37+s9+$0x0], $0xffff  }
0x8a: {  	v26 =	vadd.f32 v33, v26;
	v33 =	vadd.s32 $0x800, v1;
	v1 =	vmovc v8;
	v8 =	vmovc v29;
	v22 =	vadd.f32 v35, v22;
	v32 =	vld [tilespmem:s19+$0x0]  }
0x8b: {  	v15 =	vmovc v19;
	v27 =	vadd.f32 v34, v27;
	v34 =	vadd.s32 $0x800, v2;
	v2 =	vmovc v11;
	v11 =	vmov v18;
	v29 =	vld.idx.msk [tilespmem:v39+s9+$0x0], $0xffff  }
0x8c: {  	v19 =	vadd.s32 $0x800, v0;
	v0 =	vmovc v9;
	v18 =	vadd.f32 v38, v24;
	v16 =	vadd.f32 v16, v22;
	v22 =	vld.idx.msk [tilespmem:v36+s9+$0x0], $0xffff  }
0x8d: {  	v9 =	vmovc v20;
	v24 =	vadd.f32 v27, v26;
	v26 =	vadd.s32 $0x200, v20;
	v25 =	vadd.f32 v31, v25;
	v27 =	vld.idx.msk [tilespmem:v40+s9+$0x0], $0xffff  }
0x8e: {  	v20 =	vadd.s32 $0x200, v13;
	v18 =	vadd.f32 v23, v18;
	v23 =	vld.idx.msk [tilespmem:v28+s9+$0x0], $0xffff  }
0x8f: {  	v28 =	vadd.s32 $0x200, v14;
	v17 =	vadd.f32 v25, v17;
	v25 =	vld.idx.msk [tilespmem:v33+s9+$0x0], $0xffff  }
0x90: {  	v18 =	vadd.f32 v18, v24;
	v24 =	vld.idx.msk [tilespmem:v34+s9+$0x0], $0xffff  }
0x91: {  	v31 =	vadd.s32 $0x200, v12;
	v16 =	vadd.f32 v16, v17;
	v17 =	vld.idx.msk [tilespmem:v19+s9+$0x0], $0xffff  }
0x92: {  	v18 =	vmul.f32 v18, v30;
	v19 =	vadd.s32 $0x200, v15;
	v22 =	vadd.f32 v22, v29;
	v29 =	vld [tilespmem:s17+$0x400];
	s17 =	smov.u32 s19;
	s19 =	smov.u32 s20  }
0x93: {  	v16 =	vmul.f32 v16, v32  }
0x94: {  	v30 =	vadd.s32 $0x200, v11;
	v18 =	vmul.f32 $1.250000000e-01, v18;
	v23 =	vadd.f32 v23, v27  }
0x95: {  	v27 =	vadd.s32 $0x200, v8;
	v16 =	vmul.f32 $1.250000000e-01, v16  }
0x96: {  	[tilespmem:s21+$0xFFFFFC00] =	vst v18  }
0x97: {  	v18 =	vld.idx.msk [tilespmem:v26+s9+$0x0], $0xffff;
	v26 =	vadd.s32 $0x200, v10;
	[tilespmem:s18+$0x0] =	vst v16;
	v16 =	vadd.f32 v17, v21;
	v17 =	vadd.f32 v24, v25  }
0x98: {  	v20 =	vld.idx.msk [tilespmem:v20+s9+$0x0], $0xffff  }
0x99: {  	v21 =	vld.idx.msk [tilespmem:v30+s9+$0x0], $0xffff;
	v16 =	vadd.f32 v22, v16;
	v17 =	vadd.f32 v17, v23  }
0x9a: {  	v23 =	vadd.s32 $0x600, v6;
	v22 =	vld.idx.msk [tilespmem:v27+s9+$0x0], $0xffff  }
0x9b: {  	v27 =	vadd.s32 $0x600, v0;
	v25 =	vld.idx.msk [tilespmem:v31+s9+$0x0], $0xffff;
	v16 =	vadd.f32 v17, v16  }
0x9c: {  	v30 =	vadd.s32 $0x600, v7;
	v26 =	vld.idx.msk [tilespmem:v26+s9+$0x0], $0xffff  }
0x9d: {  	v31 =	vadd.s32 $0x600, v5;
	v28 =	vld.idx.msk [tilespmem:v28+s9+$0x0], $0xffff;
	v17 =	vmul.f32 v16, v29  }
0x9e: {  	v32 =	vadd.s32 $0x600, v3;
	v18 =	vadd.f32 v18, v20;
	v29 =	vld.idx.msk [tilespmem:v19+s9+$0x0], $0xffff  }
0x9f: {  	v16 =	vld.idx.msk [tilespmem:v23+s9+$0x0], $0xffff;
	v23 =	vadd.s32 $0x600, v4;
	v20 =	vmul.f32 $1.250000000e-01, v17  }
0xa0: {  	v24 =	vadd.f32 v21, v22;
	v17 =	vld.idx.msk [tilespmem:v27+s9+$0x0], $0xffff;
	v27 =	vadd.s32 $0x600, v1  }
.Ltmp0:
0xa1: {  	v19 =	vld.idx.msk [tilespmem:v30+s9+$0x0], $0xffff;
	[tilespmem:s16+$0x400] =	vst v20;
	s16 =	smov.u32 s18;
	s18 =	smov.u32 s21;
	(pc) =	sbr.rel @p0 .LBB2_2-.Ltmp0, $4  }
0xa2: {  	v20 =	vld.idx.msk [tilespmem:v31+s9+$0x0], $0xffff  }
0xa3: {  	v25 =	vadd.f32 v25, v28;
	v21 =	vld.idx.msk [tilespmem:v32+s9+$0x0], $0xffff  }
0xa4: {  	v26 =	vadd.f32 v29, v26;
	v22 =	vld.idx.msk [tilespmem:v23+s9+$0x0], $0xffff  }
0xa5: {  	s23 =	sadd.s32 $0x10, s23;
	v25 =	vadd.f32 v25, v18;
	v23 =	vadd.s32 $0x600, v2;
	v18 =	vld.idx.msk [tilespmem:v27+s9+$0x0], $0xffff  }
0xa6: {  	v27 =	vld [tilespmem:s20+$0xFFFFFE00]  }
0xa7: {  	v24 =	vadd.f32 v24, v26;
	_ =	sdelay $0x1  }
0xa8: {  	v24 =	vadd.f32 v24, v25;
	_ =	sdelay $0x1  }
0xa9: {  	v53 =	vadd.s32 $0x400, v13;
	v24 =	vmul.f32 v24, v27  }
0xaa: {  	v54 =	vadd.s32 $0x400, v9  }
0xab: {  	v55 =	vadd.s32 $0x400, v11;
	v24 =	vmul.f32 $1.250000000e-01, v24  }
0xac: {  	v28 =	vadd.s32 $0x400, v10  }
0xad: {  	v56 =	vadd.s32 $0x400, v12;
	[tilespmem:s21+$0xFFFFFE00] =	vst v24  }
0xae: {  	v29 =	vadd.s32 $0x400, v8;
	v25 =	vld.idx.msk [tilespmem:v53+s9+$0x0], $0xffff  }
0xaf: {  	v30 =	vadd.s32 $0x400, v15;
	v26 =	vld.idx.msk [tilespmem:v54+s9+$0x0], $0xffff  }
0xb0: {  	v31 =	vadd.s32 $0x400, v14;
	v27 =	vld.idx.msk [tilespmem:v55+s9+$0x0], $0xffff  }
0xb1: {  	v28 =	vld.idx.msk [tilespmem:v28+s9+$0x0], $0xffff  }
0xb2: {  	v24 =	vld.idx.msk [tilespmem:v56+s9+$0x0], $0xffff  }
0xb3: {  	v29 =	vld.idx.msk [tilespmem:v29+s9+$0x0], $0xffff  }
0xb4: {  	v30 =	vld.idx.msk [tilespmem:v30+s9+$0x0], $0xffff  }
0xb5: {  	v31 =	vld.idx.msk [tilespmem:v31+s9+$0x0], $0xffff;
	_ =	sdelay $0x3  }
0xb6: {  	v25 =	vadd.f32 v26, v25;
	v57 =	vadd.f32 v27, v29  }
0xb7: {  	v58 =	vadd.f32 v30, v28;
	v24 =	vadd.f32 v24, v31  }
0xb8: {  	v59 =	vld [tilespmem:s19+$0x0]  }
0xb9: {  	v26 =	vadd.f32 v57, v58;
	v24 =	vadd.f32 v24, v25;
	_ =	sdelay $0x1  }
0xba: {  	v24 =	vadd.f32 v26, v24;
	_ =	sdelay $0x1  }
0xbb: {  	v60 =	vadd.s32 $0x600, v13;
	v24 =	vmul.f32 v24, v59  }
0xbc: {  	v61 =	vadd.s32 $0x600, v9  }
0xbd: {  	v62 =	vadd.s32 $0x600, v14;
	v24 =	vmul.f32 $1.250000000e-01, v24  }
0xbe: {  	v23 =	vld.idx.msk [tilespmem:v23+s9+$0x0], $0xffff;
	v63 =	vadd.s32 $0x600, v12  }
0xbf: {  	v33 =	vld [tilespmem:s17+$0x200];
	v34 =	vadd.s32 $0x600, v10;
	[tilespmem:s18+$0x0] =	vst v24  }
0xc0: {  	v35 =	vadd.s32 $0x600, v15;
	v25 =	vld.idx.msk [tilespmem:v60+s9+$0x0], $0xffff  }
0xc1: {  	v38 =	vadd.s32 $0x600, v8;
	v37 =	vld.idx.msk [tilespmem:v61+s9+$0x0], $0xffff  }
0xc2: {  	v41 =	vadd.s32 $0x600, v11;
	v40 =	vld.idx.msk [tilespmem:v62+s9+$0x0], $0xffff  }
0xc3: {  	v16 =	vadd.f32 v17, v16;
	v19 =	vadd.f32 v20, v19;
	v42 =	vld.idx.msk [tilespmem:v63+s9+$0x0], $0xffff  }
0xc4: {  	v36 =	vadd.f32 v22, v21;
	v39 =	vadd.f32 v23, v18;
	v43 =	vld.idx.msk [tilespmem:v34+s9+$0x0], $0xffff  }
0xc5: {  	v44 =	vld.idx.msk [tilespmem:v35+s9+$0x0], $0xffff  }
0xc6: {  	v16 =	vadd.f32 v19, v16;
	v17 =	vadd.f32 v39, v36;
	v45 =	vld.idx.msk [tilespmem:v38+s9+$0x0], $0xffff  }
0xc7: {  	v46 =	vld.idx.msk [tilespmem:v41+s9+$0x0], $0xffff  }
0xc8: {  	v16 =	vadd.f32 v17, v16;
	_ =	sdelay $0x1  }
0xc9: {  	v6 =	vadd.s32 $0x800, v6;
	v7 =	vadd.s32 $0x800, v7;
	v16 =	vmul.f32 v16, v33  }
0xca: {  	v5 =	vadd.s32 $0x800, v5;
	v18 =	vadd.f32 v42, v40;
	v19 =	vadd.f32 v44, v43  }
0xcb: {  	v16 =	vmul.f32 $1.250000000e-01, v16;
	v47 =	vadd.f32 v37, v25;
	v17 =	vadd.f32 v46, v45  }
0xcc: {  	v3 =	vadd.s32 $0x800, v3;
	v48 =	vld [tilespmem:s19+$0x200]  }
0xcd: {  	v4 =	vadd.s32 $0x800, v4;
	[tilespmem:s16+$0x200] =	vst v16;
	v49 =	vadd.f32 v18, v47;
	v17 =	vadd.f32 v17, v19  }
0xce: {  	v1 =	vadd.s32 $0x800, v1;
	v6 =	vld.idx.msk [tilespmem:v6+s9+$0x0], $0xffff  }
0xcf: {  	v2 =	vadd.s32 $0x800, v2;
	v7 =	vld.idx.msk [tilespmem:v7+s9+$0x0], $0xffff;
	v16 =	vadd.f32 v17, v49  }
0xd0: {  	v0 =	vadd.s32 $0x800, v0;
	v5 =	vld.idx.msk [tilespmem:v5+s9+$0x0], $0xffff  }
0xd1: {  	v50 =	vadd.s32 $0x800, v13;
	v3 =	vld.idx.msk [tilespmem:v3+s9+$0x0], $0xffff;
	v16 =	vmul.f32 v16, v48  }
0xd2: {  	v51 =	vadd.s32 $0x800, v14;
	v4 =	vld.idx.msk [tilespmem:v4+s9+$0x0], $0xffff  }
0xd3: {  	v52 =	vadd.s32 $0x800, v12;
	v1 =	vld.idx.msk [tilespmem:v1+s9+$0x0], $0xffff;
	v16 =	vmul.f32 $1.250000000e-01, v16  }
0xd4: {  	v53 =	vadd.s32 $0x800, v10;
	v2 =	vld.idx.msk [tilespmem:v2+s9+$0x0], $0xffff  }
0xd5: {  	v54 =	vadd.s32 $0x800, v15;
	v0 =	vld.idx.msk [tilespmem:v0+s9+$0x0], $0xffff;
	[tilespmem:s18+$0x200] =	vst v16  }
0xd6: {  	v55 =	vadd.s32 $0x800, v8;
	v13 =	vld.idx.msk [tilespmem:v50+s9+$0x0], $0xffff  }
0xd7: {  	v56 =	vadd.s32 $0x800, v11;
	v14 =	vld.idx.msk [tilespmem:v51+s9+$0x0], $0xffff  }
0xd8: {  	v57 =	vadd.s32 $0x800, v9;
	v12 =	vld.idx.msk [tilespmem:v52+s9+$0x0], $0xffff  }
0xd9: {  	v10 =	vld.idx.msk [tilespmem:v53+s9+$0x0], $0xffff  }
0xda: {  	v15 =	vld.idx.msk [tilespmem:v54+s9+$0x0], $0xffff  }
0xdb: {  	v8 =	vld.idx.msk [tilespmem:v55+s9+$0x0], $0xffff  }
0xdc: {  	v11 =	vld.idx.msk [tilespmem:v56+s9+$0x0], $0xffff  }
0xdd: {  	v9 =	vld.idx.msk [tilespmem:v57+s9+$0x0], $0xffff;
	_ =	sdelay $0x1  }
0xde: {  	v5 =	vadd.f32 v5, v7;
	v3 =	vadd.f32 v4, v3  }
0xdf: {  	v0 =	vadd.f32 v0, v6;
	v1 =	vadd.f32 v2, v1  }
0xe0: {  	v58 =	vadd.f32 v12, v14;
	v59 =	vadd.f32 v15, v10  }
0xe1: {  	v60 =	vld [tilespmem:s17+$0x400];
	v61 =	vadd.f32 v9, v13;
	v8 =	vadd.f32 v11, v8  }
0xe2: {  	v0 =	vadd.f32 v5, v0;
	v1 =	vadd.f32 v1, v3;
	v62 =	vld [tilespmem:s19+$0x400]  }
0xe3: {  	v2 =	vadd.f32 v58, v61;
	v4 =	vadd.f32 v8, v59  }
0xe4: {  	v0 =	vadd.f32 v1, v0  }
0xe5: {  	v63 =	vadd.f32 v4, v2  }
0xe6: {  	v0 =	vmul.f32 v0, v60  }
0xe7: {  	v1 =	vmul.f32 v63, v62  }
0xe8: {  	v0 =	vmul.f32 $1.250000000e-01, v0  }
0xe9: {  	s15 =	sadd.s32 $0x1, s15;
	v1 =	vmul.f32 $1.250000000e-01, v1  }
0xea: {  	p0 =	sne.s32 s15, s7;
	[tilespmem:s16+$0x400] =	vst v0  }
.Ltmp1:
0xeb: {  	[tilespmem:s18+$0x400] =	vst v1;
	(pc) =	sbr.rel @p0 .LBB2_1-.Ltmp1, $4  }
0xec: {  	[hbm4b:s6+s2] =	stream.linear.scatter [tilespmem:s13], [sflag:$0x4], $0xA00, $0x38;
	[tilespmem:$0x2E00] =	vst v63  }
0xed: {  	_ =	swait.ge [sflag:s14], $0xA00  }
0xee: {  	[sflag:s14] =	ssyncset.done $0x0  }
0xef: {  	[sflag:s14] =	ssyncadd.s32 $0xFFFFF600  }
0xf0: {  	_ =	sfence.sel $0x180000  }
0xf1: {  	[bflag:$0x0] =	sbarrier.arrive $0xFFFF  }
0xf2: {  	p0 =	sne.s32 s0, $0x0;
	_ =	strace $0x90000047  }
0xf3: {  	s0 =	sadd.s32 @!p0 $0x100000, s1;
	[bflag:$0x2] =	sbarrier.arrive $0xFFFF  }
0xf4: {  	[sflag:s0] =	ssyncadd.tile.s32 @!p0 $0x1;
	_ =	shalt  }
.Lfunc_end2:
_tile_overlayer_lowered:
.L_overlay_start_2:
0xf5: {  	(tag) =	ssettag $0x2  }
0xf6: {  	s0 =	rddreg [dreg:$0x0];
	s2 =	stileid.u32  }
0xf7: {  	s1 =	rddreg [dreg:$0x1];
	p0 =	sne.s32 s2, $0x0  }
0xf8: {  	s3 =	rddreg [dreg:$0x2];
	[bflag:$0x3] =	sbarrier.arrive $0xFFFF;
	s2 =	simm.s32 @!p0 $0x1C04  }
0xf9: {  	[timem:s3], [sflag:s2] =	dma.local @!p0 [hbm:s0], s1  }
0xfa: {  	s0 =	simm.s32 @!p0 $0x4  }
0xfb: {  	_ =	swait.ge @!p0 [sflag:s0], s1  }
0xfc: {  	s1 =	ssub.s32 @!p0 $0x0, s1;
	[sflag:s0] =	ssyncset.done @!p0 $0x0  }
0xfd: {  	[sflag:s0] =	ssyncadd.s32 @!p0 s1  }
0xfe: {  	[bflag:$0x3] =	sbarrier.arrive $0xFFFF  }
0xff: {  	_ =	shalt  }

</sc_bundles>
